<compile_context>
chip_gen: v7x
topology: tpu7x:2x2x1
jax: 0.10.2.dev20260603
libtpu: 0.0.44.dev20260713+nightly
codegen_flags: <defaults>
</compile_context>

<pallas_src>
import jax
import jax.numpy as jnp
from jax.experimental import pallas as pl
from jax.experimental.pallas import tpu as pltpu
from jax.experimental.pallas import tpu_sc as plsc

_S = 28
_B = 3
_NUM_CLASSES = 80
_C = _B * 5 + _NUM_CLASSES
_LAMDA_COORD = 5.0
_LAMDA_NOOBJ = 0.5


def _dense_body(sizes_ref, mo_ref, tg_ref, out_ref):
    i = pl.program_id(0)
    mo = mo_ref[0]
    tg = tg_ref[0]

    conf_t = tg[..., _B * 4:_B * 5]
    pred_conf = mo[..., _B * 4:_B * 5]
    noobj_mask = jnp.sum(conf_t, axis=2) == 0.0
    noobj_loss = _LAMDA_NOOBJ * jnp.sum(
        jnp.where(noobj_mask[..., None], pred_conf, 0.0) ** 2)

    cnt = jnp.sum((conf_t == 1.0).astype(jnp.float32), axis=2)
    has_obj = cnt > 0

    H_ = sizes_ref[i, 0]
    W_ = sizes_ref[i, 1]
    gh = H_ / _S
    gw = W_ / _S
    xg = jax.lax.broadcasted_iota(jnp.int32, (_S, _S), 1).astype(jnp.float32)
    yg = jax.lax.broadcasted_iota(jnp.int32, (_S, _S), 0).astype(jnp.float32)
    x_base = xg * gw
    y_base = yg * gh

    tx = tg[..., 0] * gw + x_base
    ty = tg[..., 1] * gh + y_base
    tw = tg[..., _B * 2] * W_
    th = tg[..., _B * 2 + 1] * H_
    tx1 = tx - tw / 2
    ty1 = ty - th / 2
    tx2 = tx + tw / 2
    ty2 = ty + th / 2
    area_t = (tx2 - tx1) * (ty2 - ty1)

    best = jnp.zeros((_S, _S), jnp.int32)
    best_iou = jnp.full((_S, _S), -jnp.inf)
    ious = []
    for b in range(_B):
        px = mo[..., 2 * b] * gw + x_base
        py = mo[..., 2 * b + 1] * gh + y_base
        pw = mo[..., _B * 2 + 2 * b] * W_
        ph = mo[..., _B * 2 + 2 * b + 1] * H_
        px1 = px - pw / 2
        py1 = py - ph / 2
        px2 = px + pw / 2
        py2 = py + ph / 2
        area_p = (px2 - px1) * (py2 - py1)
        lx = jnp.maximum(tx1, px1)
        ly = jnp.maximum(ty1, py1)
        rx = jnp.minimum(tx2, px2)
        ry = jnp.minimum(ty2, py2)
        iw = jnp.clip(rx - lx, 0.0)
        ih = jnp.clip(ry - ly, 0.0)
        inter = iw * ih
        denom = area_t + area_p - inter
        iou = inter / jnp.where(has_obj, denom, 1.0)
        ious.append(iou)
        take = iou > best_iou
        best = jnp.where(take, b, best)
        best_iou = jnp.where(take, iou, best_iou)

    p_x_raw = jnp.zeros((_S, _S), jnp.float32)
    p_y_raw = jnp.zeros((_S, _S), jnp.float32)
    p_w_raw = jnp.zeros((_S, _S), jnp.float32)
    p_h_raw = jnp.zeros((_S, _S), jnp.float32)
    p_conf_resp = jnp.zeros((_S, _S), jnp.float32)
    noobj_cell = jnp.zeros((_S, _S), jnp.float32)
    for b in range(_B):
        is_b = best == b
        p_x_raw = jnp.where(is_b, mo[..., 2 * b], p_x_raw)
        p_y_raw = jnp.where(is_b, mo[..., 2 * b + 1], p_y_raw)
        p_w_raw = jnp.where(is_b, mo[..., _B * 2 + 2 * b], p_w_raw)
        p_h_raw = jnp.where(is_b, mo[..., _B * 2 + 2 * b + 1], p_h_raw)
        pc_b = mo[..., _B * 4 + b]
        p_conf_resp = jnp.where(is_b, pc_b, p_conf_resp)
        noobj_cell = noobj_cell + jnp.where(is_b, 0.0, pc_b) ** 2

    t_x_raw = tg[..., 0]
    t_y_raw = tg[..., 1]
    t_w_raw = tg[..., _B * 2]
    t_h_raw = tg[..., _B * 2 + 1]
    coord_cell = ((p_x_raw - t_x_raw) ** 2 + (p_y_raw - t_y_raw) ** 2
                  + (jnp.sqrt(jnp.clip(p_w_raw, 0.0)) - jnp.sqrt(jnp.clip(t_w_raw, 0.0))) ** 2
                  + (jnp.sqrt(jnp.clip(p_h_raw, 0.0)) - jnp.sqrt(jnp.clip(t_h_raw, 0.0))) ** 2)
    conf_cell = (p_conf_resp - best_iou) ** 2
    cls_cell = jnp.sum((mo[..., -_NUM_CLASSES:] - tg[..., -_NUM_CLASSES:]) ** 2, axis=-1)
    per_cell = (_LAMDA_COORD * coord_cell + conf_cell
                + _LAMDA_NOOBJ * noobj_cell + cls_cell)
    obj_loss = jnp.sum(jnp.where(has_obj, cnt * per_cell, 0.0))

    blk = noobj_loss + obj_loss

    @pl.when(pl.program_id(0) == 0)
    def _():
        out_ref[0, 0] = 0.0

    out_ref[0, 0] += blk


def _dense_loss(model_output, targets, orig_image_sizes):
    n = model_output.shape[0]
    grid = (n,)
    out = pl.pallas_call(
        _dense_body,
        grid=grid,
        in_specs=[
            pl.BlockSpec(memory_space=pltpu.SMEM),
            pl.BlockSpec((1, _S, _S, _C), lambda i: (i, 0, 0, 0)),
            pl.BlockSpec((1, _S, _S, _C), lambda i: (i, 0, 0, 0)),
        ],
        out_specs=pl.BlockSpec(memory_space=pltpu.SMEM),
        out_shape=jax.ShapeDtypeStruct((1, 1), jnp.float32),
    )(orig_image_sizes, model_output, targets)
    return out[0, 0]


_NW = 32
_CELLS = 512 * _S * _S
_CPW = _CELLS // _NW


_NCHUNK = 8
_CH = _CPW // _NCHUNK


def _sc_conf_kernel(mo_hbm, tg_hbm, out_hbm, mo_buf, tg_buf, stage):
    import jax.lax as lax
    wid = lax.axis_index("s") * 2 + lax.axis_index("c")
    c0 = wid * _CPW

    iota16 = lax.broadcasted_iota(jnp.int32, (16,), 0)
    zeros_i = jnp.full((16,), _B * 4 - 8, jnp.int32)
    ones_i = jnp.full((16,), _B * 4 - 7, jnp.int32)
    twos_i = jnp.full((16,), _B * 4 - 6, jnp.int32)

    def body(i, carry):
        nl, tmax = carry
        ci = i * 16 + iota16
        t0 = plsc.load_gather(tg_buf, [ci, zeros_i])
        t1 = plsc.load_gather(tg_buf, [ci, ones_i])
        t2 = plsc.load_gather(tg_buf, [ci, twos_i])
        p0 = plsc.load_gather(mo_buf, [ci, zeros_i])
        p1 = plsc.load_gather(mo_buf, [ci, ones_i])
        p2 = plsc.load_gather(mo_buf, [ci, twos_i])
        s = t0 + t1 + t2
        m = s == 0.0
        sq = p0 * p0 + p1 * p1 + p2 * p2
        nl = nl + jnp.where(m, sq, 0.0)
        tmax = jnp.maximum(tmax, jnp.maximum(t0, jnp.maximum(t1, t2)))
        return nl, tmax

    nl = jnp.zeros((16,), jnp.float32)
    tmax = jnp.full((16,), -jnp.inf, jnp.float32)
    for k in range(_NCHUNK):
        ck = c0 + k * _CH
        pltpu.sync_copy(mo_hbm.at[pl.ds(ck, _CH), pl.ds(8, 8)], mo_buf)
        pltpu.sync_copy(tg_hbm.at[pl.ds(ck, _CH), pl.ds(8, 8)], tg_buf)
        nl, tmax = lax.fori_loop(0, _CH // 16, body, (nl, tmax))

    stage[...] = nl
    pltpu.sync_copy(stage, out_hbm.at[wid, pl.ds(0, 16)])
    stage[...] = tmax
    pltpu.sync_copy(stage, out_hbm.at[wid, pl.ds(16, 16)])


def _sc_conf_stats(model_output, targets):
    import functools
    mo_v = model_output.reshape(_CELLS, _C)
    tg_v = targets.reshape(_CELLS, _C)
    mesh = plsc.VectorSubcoreMesh(core_axis_name="c", subcore_axis_name="s")
    f = functools.partial(
        pl.kernel,
        mesh=mesh,
        out_type=jax.ShapeDtypeStruct((_NW, 32), jnp.float32),
        scratch_types=[
            pltpu.VMEM((_CH, 8), jnp.float32),
            pltpu.VMEM((_CH, 8), jnp.float32),
            pltpu.VMEM((16,), jnp.float32),
        ],
        compiler_params=pltpu.CompilerParams(
            use_tc_tiling_on_sc=False, needs_layout_passes=False),
    )(_sc_conf_kernel)
    return f(mo_v, tg_v)


def kernel(model_output, targets, orig_image_sizes):
    stats = _sc_conf_stats(model_output, targets)
    noobj_loss = _LAMDA_NOOBJ * jnp.sum(stats[:, :16])
    any_obj = jnp.max(stats[:, 16:]) >= 1.0
    return jax.lax.cond(
        any_obj,
        lambda: _dense_loss(model_output, targets, orig_image_sizes),
        lambda: noobj_loss,
    )

# --- scband reference (transcript-rebuilt; emitter-appended) ---
"""Pipeline reference for scband-yololoss-46849503265144 (READ-ONLY COPY).

The authoritative reference and input builder live on the scoring server;
editing this copy changes nothing except your own understanding.
"""

import jax, jax.numpy as jnp
import numpy as np

S = 28
B = 3
NUM_CLASSES = 80
LAMDA_COORD = 5.0
LAMDA_NOOBJ = 0.5


def box_iou_pairwise(tbox, pbox, valid):
    # tbox: [..., 4] (x1,y1,x2,y2); pbox: [..., B, 4]; valid: [...] bool
    area1 = (tbox[..., 2] - tbox[..., 0]) * (tbox[..., 3] - tbox[..., 1])
    area2 = (pbox[..., 2] - pbox[..., 0]) * (pbox[..., 3] - pbox[..., 1])
    lt = jnp.maximum(tbox[..., None, :2], pbox[..., :2])
    rb = jnp.minimum(tbox[..., None, 2:], pbox[..., 2:])
    wh = jnp.clip(rb - lt, 0.0)
    inter = wh[..., 0] * wh[..., 1]
    denom = area1[..., None] + area2 - inter
    return inter / jnp.where(valid[..., None], denom, 1.0)


def _forward(model_output, targets, orig_image_sizes):
    # --- global no-object confidence loss (calc_noobj_conf_loss assumed as
    # lamda_noobj * sum(pred_conf^2) since target conf is 0 for noobj cells) ---
    conf_t = targets[..., B * 4:B * 5]
    noobj_mask = jnp.sum(conf_t, axis=3) == 0  # [N, S, S]
    pred_conf = model_output[..., B * 4:B * 5]  # [N, S, S, B]
    loss = LAMDA_NOOBJ * jnp.sum(jnp.where(noobj_mask[..., None], pred_conf, 0.0) ** 2)

    # --- per-object-cell loss (vectorized reconstruction of the python loop,
    # assuming <=1 object per grid cell). A cell contributes once per anchor
    # whose target confidence equals exactly 1.0; cells with none contribute 0. ---
    N = targets.shape[0]
    cnt = jnp.sum((conf_t == 1.0).astype(jnp.float32), axis=3)  # [N, S, S]
    has_obj = cnt > 0

    H_ = orig_image_sizes[:, 0][:, None, None]  # [N, 1, 1]
    W_ = orig_image_sizes[:, 1][:, None, None]
    gh = H_ / S
    gw = W_ / S
    xgrid = jnp.arange(S, dtype=jnp.float32)[None, None, :]
    ygrid = jnp.arange(S, dtype=jnp.float32)[None, :, None]
    x_base, y_base = jnp.broadcast_arrays(xgrid * gw, ygrid * gh)  # [N, S, S]
    tc = targets          # [N, S, S, 95]
    pc = model_output     # [N, S, S, 95]
    scale_xy = jnp.stack(jnp.broadcast_arrays(gw, gh), axis=-1)   # [N, 1, 1, 2] -> broadcast
    base = jnp.stack([x_base, y_base], axis=-1)                   # [N, S, S, 2]
    scale_wh = jnp.stack(jnp.broadcast_arrays(W_, H_), axis=-1)
    t_xy = tc[..., :2] * scale_xy + base
    t_wh = tc[..., B * 2:B * 2 + 2] * scale_wh
    p_xy = pc[..., :B * 2].reshape(N, S, S, B, 2) * scale_xy[..., None, :] + base[..., None, :]
    p_wh = pc[..., B * 2:B * 4].reshape(N, S, S, B, 2) * scale_wh[..., None, :]
    tbox = jnp.concatenate([t_xy - t_wh / 2, t_xy + t_wh / 2], axis=-1)   # [N, S, S, 4]
    pbox = jnp.concatenate([p_xy - p_wh / 2, p_xy + p_wh / 2], axis=-1)   # [N, S, S, B, 4]
    ious = box_iou_pairwise(tbox, pbox, has_obj)  # [N, S, S, B]
    best = jnp.argmax(ious, axis=-1)              # [N, S, S]
    best_iou = jnp.take_along_axis(ious, best[..., None], axis=-1)[..., 0]
    p_xy_raw = jnp.take_along_axis(
        pc[..., :B * 2].reshape(N, S, S, B, 2), best[..., None, None], axis=-2)[..., 0, :]
    p_wh_raw = jnp.take_along_axis(
        pc[..., B * 2:B * 4].reshape(N, S, S, B, 2), best[..., None, None], axis=-2)[..., 0, :]
    p_conf_all = pc[..., B * 4:B * 5]
    p_conf_resp = jnp.take_along_axis(p_conf_all, best[..., None], axis=-1)[..., 0]
    t_xy_raw = tc[..., :2]
    t_wh_raw = tc[..., B * 2:B * 2 + 2]
    coord_cell = jnp.sum((p_xy_raw - t_xy_raw) ** 2, axis=-1) + jnp.sum(
        (jnp.sqrt(jnp.clip(p_wh_raw, 0.0)) - jnp.sqrt(jnp.clip(t_wh_raw, 0.0))) ** 2, axis=-1)
    conf_cell = (p_conf_resp - best_iou) ** 2
    onehot_resp = jax.nn.one_hot(best, B)
    noobj_cell = jnp.sum(((1.0 - onehot_resp) * p_conf_all) ** 2, axis=-1)
    cls_cell = jnp.sum((pc[..., -NUM_CLASSES:] - tc[..., -NUM_CLASSES:]) ** 2, axis=-1)
    per_cell = LAMDA_COORD * coord_cell + conf_cell + LAMDA_NOOBJ * noobj_cell + cls_cell
    loss = loss + jnp.sum(jnp.where(has_obj, cnt * per_cell, 0.0))
    return loss


def setup_inputs(seed: int = 0):
    key = jax.random.key(seed)
    k1, k2, k3 = jax.random.split(key, 3)
    N = 512
    C = B * 5 + NUM_CLASSES
    model_output = jax.random.normal(k1, (N, S, S, C), dtype=jnp.float32)
    targets = jax.random.uniform(k2, (N, S, S, C), dtype=jnp.float32)
    orig_image_sizes = jax.random.uniform(k3, (N, 2), dtype=jnp.float32)
    return {"model_output": model_output, "targets": targets, "orig_image_sizes": orig_image_sizes}


def reference(model_output, targets, orig_image_sizes):
    return _forward(model_output, targets, orig_image_sizes)

if __name__ == "__main__":
    import jax
    _d = setup_inputs()
    print(jax.jit(kernel)(*tuple(_d.values())))

</pallas_src>

<mosaic_0001>
#map = affine_map<(d0, d1) -> (0, 0)>
module attributes {stable_mosaic.version = 14 : i64} {
  func.func @_sc_conf_kernel(%arg0: i32, %arg1: i32, %arg2: memref<401408x95xf32, #tpu.memory_space<hbm>>, %arg3: memref<401408x95xf32, #tpu.memory_space<hbm>>, %arg4: memref<32x32xf32, #tpu.memory_space<hbm>>, %arg5: memref<1568x8xf32, #tpu.memory_space<vmem>>, %arg6: memref<1568x8xf32, #tpu.memory_space<vmem>>, %arg7: memref<16xf32, #tpu.memory_space<vmem>>) attributes {dimension_semantics = [#tpu.dimension_semantics<core_parallel>, #tpu.dimension_semantics<subcore_parallel>], iteration_bounds = array<i64: 2, 16>, scalar_prefetch = 0 : i64, scratch_operands = 3 : i64, tpu.core_type = #tpu.core_type<sc_vector_subcore>, window_params = [{transform_indices = #map}, {transform_indices = #map}, {transform_indices = #map}]} {
    %mul3A = arith.constant 2 : i32
    %mul3A_0 = arith.muli %arg1, %mul3A : i32
    %add3A = arith.addi %mul3A_0, %arg0 : i32
    %mul3A_1 = arith.constant 12544 : i32
    %mul3A_2 = arith.muli %add3A, %mul3A_1 : i32
    %iota3A = tpu.iota {dimensions = array<i32: 0>} : vector<16xi32>
    %broadcast_in_dim3A = arith.constant 4 : i32
    %broadcast_in_dim3A_3 = vector.broadcast %broadcast_in_dim3A : i32 to vector<16xi32>
    %broadcast_in_dim3A_4 = arith.constant 5 : i32
    %broadcast_in_dim3A_5 = vector.broadcast %broadcast_in_dim3A_4 : i32 to vector<16xi32>
    %broadcast_in_dim3A_6 = arith.constant 6 : i32
    %broadcast_in_dim3A_7 = vector.broadcast %broadcast_in_dim3A_6 : i32 to vector<16xi32>
    %broadcast_in_dim3A_8 = arith.constant 0.000000e+00 : f32
    %broadcast_in_dim3A_9 = vector.broadcast %broadcast_in_dim3A_8 : f32 to vector<16xf32>
    %broadcast_in_dim3A_10 = arith.constant 0xFF800000 : f32
    %broadcast_in_dim3A_11 = vector.broadcast %broadcast_in_dim3A_10 : f32 to vector<16xf32>
    %add3A_12 = arith.constant 0 : i32
    %add3A_13 = arith.addi %mul3A_2, %add3A_12 : i32
    "tpu.region"() ({
      %run_scoped3A = tpu.sem_alloc : memref<!tpu.dma_semaphore, #tpu.memory_space<semaphore_mem>>
      %dma_start3A = arith.constant 8 : i32
      %dma_start3A_78 = tpu.memref_slice %arg2[%add3A_13, %dma_start3A] : memref<401408x95xf32, #tpu.memory_space<hbm>> -> memref<1568x8xf32, #tpu.memory_space<hbm>>
      %dma_start3A_79 = arith.constant 8 : i32
      %dma_start3A_80 = tpu.memref_slice %arg2[%add3A_13, %dma_start3A_79] : memref<401408x95xf32, #tpu.memory_space<hbm>> -> memref<1568x8xf32, #tpu.memory_space<hbm>>
      tpu.enqueue_dma source(%dma_start3A_80 : memref<1568x8xf32, #tpu.memory_space<hbm>>) target(%arg5 : memref<1568x8xf32, #tpu.memory_space<vmem>>) target_semaphore(%run_scoped3A : memref<!tpu.dma_semaphore, #tpu.memory_space<semaphore_mem>>)
      %dma_wait3A = arith.constant 8 : i32
      %dma_wait3A_81 = tpu.memref_slice %arg2[%add3A_13, %dma_wait3A] : memref<401408x95xf32, #tpu.memory_space<hbm>> -> memref<1568x8xf32, #tpu.memory_space<hbm>>
      %dma_wait3A_82 = arith.constant 8 : i32
      %dma_wait3A_83 = tpu.memref_slice %arg2[%add3A_13, %dma_wait3A_82] : memref<401408x95xf32, #tpu.memory_space<hbm>> -> memref<1568x8xf32, #tpu.memory_space<hbm>>
      tpu.wait_dma2 semaphore(%run_scoped3A : memref<!tpu.dma_semaphore, #tpu.memory_space<semaphore_mem>>) src(%dma_wait3A_83 : memref<1568x8xf32, #tpu.memory_space<hbm>>) dst(%arg5 : memref<1568x8xf32, #tpu.memory_space<vmem>>)
      tpu.yield
    }) : () -> ()
    "tpu.region"() ({
      %run_scoped3A = tpu.sem_alloc : memref<!tpu.dma_semaphore, #tpu.memory_space<semaphore_mem>>
      %dma_start3A = arith.constant 8 : i32
      %dma_start3A_78 = tpu.memref_slice %arg3[%add3A_13, %dma_start3A] : memref<401408x95xf32, #tpu.memory_space<hbm>> -> memref<1568x8xf32, #tpu.memory_space<hbm>>
      %dma_start3A_79 = arith.constant 8 : i32
      %dma_start3A_80 = tpu.memref_slice %arg3[%add3A_13, %dma_start3A_79] : memref<401408x95xf32, #tpu.memory_space<hbm>> -> memref<1568x8xf32, #tpu.memory_space<hbm>>
      tpu.enqueue_dma source(%dma_start3A_80 : memref<1568x8xf32, #tpu.memory_space<hbm>>) target(%arg6 : memref<1568x8xf32, #tpu.memory_space<vmem>>) target_semaphore(%run_scoped3A : memref<!tpu.dma_semaphore, #tpu.memory_space<semaphore_mem>>)
      %dma_wait3A = arith.constant 8 : i32
      %dma_wait3A_81 = tpu.memref_slice %arg3[%add3A_13, %dma_wait3A] : memref<401408x95xf32, #tpu.memory_space<hbm>> -> memref<1568x8xf32, #tpu.memory_space<hbm>>
      %dma_wait3A_82 = arith.constant 8 : i32
      %dma_wait3A_83 = tpu.memref_slice %arg3[%add3A_13, %dma_wait3A_82] : memref<401408x95xf32, #tpu.memory_space<hbm>> -> memref<1568x8xf32, #tpu.memory_space<hbm>>
      tpu.wait_dma2 semaphore(%run_scoped3A : memref<!tpu.dma_semaphore, #tpu.memory_space<semaphore_mem>>) src(%dma_wait3A_83 : memref<1568x8xf32, #tpu.memory_space<hbm>>) dst(%arg6 : memref<1568x8xf32, #tpu.memory_space<vmem>>)
      tpu.yield
    }) : () -> ()
    %scan3A = arith.constant 0 : i32
    %scan3A_14 = arith.constant 98 : i32
    %scan3A_15 = arith.addi %scan3A, %scan3A_14 : i32
    %scan3A_16 = arith.constant 1 : i32
    %scan3A_17:2 = scf.for %scan3A_78 = %scan3A to %scan3A_15 step %scan3A_16 iter_args(%scan3A_79 = %broadcast_in_dim3A_9, %scan3A_80 = %broadcast_in_dim3A_11) -> (vector<16xf32>, vector<16xf32>)  : i32 {
      %mul3A_81 = arith.constant 16 : i32
      %mul3A_82 = arith.muli %scan3A_78, %mul3A_81 : i32
      %add3A_83 = vector.broadcast %mul3A_82 : i32 to vector<16xi32>
      %add3A_84 = arith.addi %add3A_83, %iota3A : vector<16xi32>
      %gather3A = tpu.vector_load_idx %arg6[%add3A_84, %broadcast_in_dim3A_3] : memref<1568x8xf32, #tpu.memory_space<vmem>>[vector<16xi32>, vector<16xi32>], vector<16xf32>,
      %gather3A_85 = tpu.vector_load_idx %arg6[%add3A_84, %broadcast_in_dim3A_5] : memref<1568x8xf32, #tpu.memory_space<vmem>>[vector<16xi32>, vector<16xi32>], vector<16xf32>,
      %gather3A_86 = tpu.vector_load_idx %arg6[%add3A_84, %broadcast_in_dim3A_7] : memref<1568x8xf32, #tpu.memory_space<vmem>>[vector<16xi32>, vector<16xi32>], vector<16xf32>,
      %gather3A_87 = tpu.vector_load_idx %arg5[%add3A_84, %broadcast_in_dim3A_3] : memref<1568x8xf32, #tpu.memory_space<vmem>>[vector<16xi32>, vector<16xi32>], vector<16xf32>,
      %gather3A_88 = tpu.vector_load_idx %arg5[%add3A_84, %broadcast_in_dim3A_5] : memref<1568x8xf32, #tpu.memory_space<vmem>>[vector<16xi32>, vector<16xi32>], vector<16xf32>,
      %gather3A_89 = tpu.vector_load_idx %arg5[%add3A_84, %broadcast_in_dim3A_7] : memref<1568x8xf32, #tpu.memory_space<vmem>>[vector<16xi32>, vector<16xi32>], vector<16xf32>,
      %add3A_90 = arith.addf %gather3A, %gather3A_85 : vector<16xf32>
      %add3A_91 = arith.addf %add3A_90, %gather3A_86 : vector<16xf32>
      %eq3A = arith.constant 0.000000e+00 : f32
      %eq3A_92 = vector.broadcast %eq3A : f32 to vector<16xf32>
      %eq3A_93 = arith.cmpf oeq, %add3A_91, %eq3A_92 : vector<16xf32>
      %mul3A_94 = arith.mulf %gather3A_87, %gather3A_87 : vector<16xf32>
      %mul3A_95 = arith.mulf %gather3A_88, %gather3A_88 : vector<16xf32>
      %add3A_96 = arith.addf %mul3A_94, %mul3A_95 : vector<16xf32>
      %mul3A_97 = arith.mulf %gather3A_89, %gather3A_89 : vector<16xf32>
      %add3A_98 = arith.addf %add3A_96, %mul3A_97 : vector<16xf32>
      %jit3A = arith.constant 0.000000e+00 : f32
      %broadcast_in_dim3A_99 = vector.broadcast %jit3A : f32 to vector<16xf32>
      %select_n3A = arith.select %eq3A_93, %add3A_98, %broadcast_in_dim3A_99 : vector<16xi1>, vector<16xf32>
      %add3A_100 = arith.addf %scan3A_79, %select_n3A : vector<16xf32>
      %max3A = arith.maximumf %gather3A_85, %gather3A_86 : vector<16xf32>
      %max3A_101 = arith.maximumf %gather3A, %max3A : vector<16xf32>
      %max3A_102 = arith.maximumf %scan3A_80, %max3A_101 : vector<16xf32>
      scf.yield %add3A_100, %max3A_102 : vector<16xf32>, vector<16xf32>
    }
    %scan3A_18 = arith.constant 98 : i32
    %add3A_19 = arith.constant 1568 : i32
    %add3A_20 = arith.addi %mul3A_2, %add3A_19 : i32
    "tpu.region"() ({
      %run_scoped3A = tpu.sem_alloc : memref<!tpu.dma_semaphore, #tpu.memory_space<semaphore_mem>>
      %dma_start3A = arith.constant 8 : i32
      %dma_start3A_78 = tpu.memref_slice %arg2[%add3A_20, %dma_start3A] : memref<401408x95xf32, #tpu.memory_space<hbm>> -> memref<1568x8xf32, #tpu.memory_space<hbm>>
      %dma_start3A_79 = arith.constant 8 : i32
      %dma_start3A_80 = tpu.memref_slice %arg2[%add3A_20, %dma_start3A_79] : memref<401408x95xf32, #tpu.memory_space<hbm>> -> memref<1568x8xf32, #tpu.memory_space<hbm>>
      tpu.enqueue_dma source(%dma_start3A_80 : memref<1568x8xf32, #tpu.memory_space<hbm>>) target(%arg5 : memref<1568x8xf32, #tpu.memory_space<vmem>>) target_semaphore(%run_scoped3A : memref<!tpu.dma_semaphore, #tpu.memory_space<semaphore_mem>>)
      %dma_wait3A = arith.constant 8 : i32
      %dma_wait3A_81 = tpu.memref_slice %arg2[%add3A_20, %dma_wait3A] : memref<401408x95xf32, #tpu.memory_space<hbm>> -> memref<1568x8xf32, #tpu.memory_space<hbm>>
      %dma_wait3A_82 = arith.constant 8 : i32
      %dma_wait3A_83 = tpu.memref_slice %arg2[%add3A_20, %dma_wait3A_82] : memref<401408x95xf32, #tpu.memory_space<hbm>> -> memref<1568x8xf32, #tpu.memory_space<hbm>>
      tpu.wait_dma2 semaphore(%run_scoped3A : memref<!tpu.dma_semaphore, #tpu.memory_space<semaphore_mem>>) src(%dma_wait3A_83 : memref<1568x8xf32, #tpu.memory_space<hbm>>) dst(%arg5 : memref<1568x8xf32, #tpu.memory_space<vmem>>)
      tpu.yield
    }) : () -> ()
    "tpu.region"() ({
      %run_scoped3A = tpu.sem_alloc : memref<!tpu.dma_semaphore, #tpu.memory_space<semaphore_mem>>
      %dma_start3A = arith.constant 8 : i32
      %dma_start3A_78 = tpu.memref_slice %arg3[%add3A_20, %dma_start3A] : memref<401408x95xf32, #tpu.memory_space<hbm>> -> memref<1568x8xf32, #tpu.memory_space<hbm>>
      %dma_start3A_79 = arith.constant 8 : i32
      %dma_start3A_80 = tpu.memref_slice %arg3[%add3A_20, %dma_start3A_79] : memref<401408x95xf32, #tpu.memory_space<hbm>> -> memref<1568x8xf32, #tpu.memory_space<hbm>>
      tpu.enqueue_dma source(%dma_start3A_80 : memref<1568x8xf32, #tpu.memory_space<hbm>>) target(%arg6 : memref<1568x8xf32, #tpu.memory_space<vmem>>) target_semaphore(%run_scoped3A : memref<!tpu.dma_semaphore, #tpu.memory_space<semaphore_mem>>)
      %dma_wait3A = arith.constant 8 : i32
      %dma_wait3A_81 = tpu.memref_slice %arg3[%add3A_20, %dma_wait3A] : memref<401408x95xf32, #tpu.memory_space<hbm>> -> memref<1568x8xf32, #tpu.memory_space<hbm>>
      %dma_wait3A_82 = arith.constant 8 : i32
      %dma_wait3A_83 = tpu.memref_slice %arg3[%add3A_20, %dma_wait3A_82] : memref<401408x95xf32, #tpu.memory_space<hbm>> -> memref<1568x8xf32, #tpu.memory_space<hbm>>
      tpu.wait_dma2 semaphore(%run_scoped3A : memref<!tpu.dma_semaphore, #tpu.memory_space<semaphore_mem>>) src(%dma_wait3A_83 : memref<1568x8xf32, #tpu.memory_space<hbm>>) dst(%arg6 : memref<1568x8xf32, #tpu.memory_space<vmem>>)
      tpu.yield
    }) : () -> ()
    %scan3A_21 = arith.constant 0 : i32
    %scan3A_22 = arith.constant 98 : i32
    %scan3A_23 = arith.addi %scan3A_21, %scan3A_22 : i32
    %scan3A_24 = arith.constant 1 : i32
    %scan3A_25:2 = scf.for %scan3A_78 = %scan3A_21 to %scan3A_23 step %scan3A_24 iter_args(%scan3A_79 = %scan3A_17#0, %scan3A_80 = %scan3A_17#1) -> (vector<16xf32>, vector<16xf32>)  : i32 {
      %mul3A_81 = arith.constant 16 : i32
      %mul3A_82 = arith.muli %scan3A_78, %mul3A_81 : i32
      %add3A_83 = vector.broadcast %mul3A_82 : i32 to vector<16xi32>
      %add3A_84 = arith.addi %add3A_83, %iota3A : vector<16xi32>
      %gather3A = tpu.vector_load_idx %arg6[%add3A_84, %broadcast_in_dim3A_3] : memref<1568x8xf32, #tpu.memory_space<vmem>>[vector<16xi32>, vector<16xi32>], vector<16xf32>,
      %gather3A_85 = tpu.vector_load_idx %arg6[%add3A_84, %broadcast_in_dim3A_5] : memref<1568x8xf32, #tpu.memory_space<vmem>>[vector<16xi32>, vector<16xi32>], vector<16xf32>,
      %gather3A_86 = tpu.vector_load_idx %arg6[%add3A_84, %broadcast_in_dim3A_7] : memref<1568x8xf32, #tpu.memory_space<vmem>>[vector<16xi32>, vector<16xi32>], vector<16xf32>,
      %gather3A_87 = tpu.vector_load_idx %arg5[%add3A_84, %broadcast_in_dim3A_3] : memref<1568x8xf32, #tpu.memory_space<vmem>>[vector<16xi32>, vector<16xi32>], vector<16xf32>,
      %gather3A_88 = tpu.vector_load_idx %arg5[%add3A_84, %broadcast_in_dim3A_5] : memref<1568x8xf32, #tpu.memory_space<vmem>>[vector<16xi32>, vector<16xi32>], vector<16xf32>,
      %gather3A_89 = tpu.vector_load_idx %arg5[%add3A_84, %broadcast_in_dim3A_7] : memref<1568x8xf32, #tpu.memory_space<vmem>>[vector<16xi32>, vector<16xi32>], vector<16xf32>,
      %add3A_90 = arith.addf %gather3A, %gather3A_85 : vector<16xf32>
      %add3A_91 = arith.addf %add3A_90, %gather3A_86 : vector<16xf32>
      %eq3A = arith.constant 0.000000e+00 : f32
      %eq3A_92 = vector.broadcast %eq3A : f32 to vector<16xf32>
      %eq3A_93 = arith.cmpf oeq, %add3A_91, %eq3A_92 : vector<16xf32>
      %mul3A_94 = arith.mulf %gather3A_87, %gather3A_87 : vector<16xf32>
      %mul3A_95 = arith.mulf %gather3A_88, %gather3A_88 : vector<16xf32>
      %add3A_96 = arith.addf %mul3A_94, %mul3A_95 : vector<16xf32>
      %mul3A_97 = arith.mulf %gather3A_89, %gather3A_89 : vector<16xf32>
      %add3A_98 = arith.addf %add3A_96, %mul3A_97 : vector<16xf32>
      %jit3A = arith.constant 0.000000e+00 : f32
      %broadcast_in_dim3A_99 = vector.broadcast %jit3A : f32 to vector<16xf32>
      %select_n3A = arith.select %eq3A_93, %add3A_98, %broadcast_in_dim3A_99 : vector<16xi1>, vector<16xf32>
      %add3A_100 = arith.addf %scan3A_79, %select_n3A : vector<16xf32>
      %max3A = arith.maximumf %gather3A_85, %gather3A_86 : vector<16xf32>
      %max3A_101 = arith.maximumf %gather3A, %max3A : vector<16xf32>
      %max3A_102 = arith.maximumf %scan3A_80, %max3A_101 : vector<16xf32>
      scf.yield %add3A_100, %max3A_102 : vector<16xf32>, vector<16xf32>
    }
    %scan3A_26 = arith.constant 98 : i32
    %add3A_27 = arith.constant 3136 : i32
    %add3A_28 = arith.addi %mul3A_2, %add3A_27 : i32
    "tpu.region"() ({
      %run_scoped3A = tpu.sem_alloc : memref<!tpu.dma_semaphore, #tpu.memory_space<semaphore_mem>>
      %dma_start3A = arith.constant 8 : i32
      %dma_start3A_78 = tpu.memref_slice %arg2[%add3A_28, %dma_start3A] : memref<401408x95xf32, #tpu.memory_space<hbm>> -> memref<1568x8xf32, #tpu.memory_space<hbm>>
      %dma_start3A_79 = arith.constant 8 : i32
      %dma_start3A_80 = tpu.memref_slice %arg2[%add3A_28, %dma_start3A_79] : memref<401408x95xf32, #tpu.memory_space<hbm>> -> memref<1568x8xf32, #tpu.memory_space<hbm>>
      tpu.enqueue_dma source(%dma_start3A_80 : memref<1568x8xf32, #tpu.memory_space<hbm>>) target(%arg5 : memref<1568x8xf32, #tpu.memory_space<vmem>>) target_semaphore(%run_scoped3A : memref<!tpu.dma_semaphore, #tpu.memory_space<semaphore_mem>>)
      %dma_wait3A = arith.constant 8 : i32
      %dma_wait3A_81 = tpu.memref_slice %arg2[%add3A_28, %dma_wait3A] : memref<401408x95xf32, #tpu.memory_space<hbm>> -> memref<1568x8xf32, #tpu.memory_space<hbm>>
      %dma_wait3A_82 = arith.constant 8 : i32
      %dma_wait3A_83 = tpu.memref_slice %arg2[%add3A_28, %dma_wait3A_82] : memref<401408x95xf32, #tpu.memory_space<hbm>> -> memref<1568x8xf32, #tpu.memory_space<hbm>>
      tpu.wait_dma2 semaphore(%run_scoped3A : memref<!tpu.dma_semaphore, #tpu.memory_space<semaphore_mem>>) src(%dma_wait3A_83 : memref<1568x8xf32, #tpu.memory_space<hbm>>) dst(%arg5 : memref<1568x8xf32, #tpu.memory_space<vmem>>)
      tpu.yield
    }) : () -> ()
    "tpu.region"() ({
      %run_scoped3A = tpu.sem_alloc : memref<!tpu.dma_semaphore, #tpu.memory_space<semaphore_mem>>
      %dma_start3A = arith.constant 8 : i32
      %dma_start3A_78 = tpu.memref_slice %arg3[%add3A_28, %dma_start3A] : memref<401408x95xf32, #tpu.memory_space<hbm>> -> memref<1568x8xf32, #tpu.memory_space<hbm>>
      %dma_start3A_79 = arith.constant 8 : i32
      %dma_start3A_80 = tpu.memref_slice %arg3[%add3A_28, %dma_start3A_79] : memref<401408x95xf32, #tpu.memory_space<hbm>> -> memref<1568x8xf32, #tpu.memory_space<hbm>>
      tpu.enqueue_dma source(%dma_start3A_80 : memref<1568x8xf32, #tpu.memory_space<hbm>>) target(%arg6 : memref<1568x8xf32, #tpu.memory_space<vmem>>) target_semaphore(%run_scoped3A : memref<!tpu.dma_semaphore, #tpu.memory_space<semaphore_mem>>)
      %dma_wait3A = arith.constant 8 : i32
      %dma_wait3A_81 = tpu.memref_slice %arg3[%add3A_28, %dma_wait3A] : memref<401408x95xf32, #tpu.memory_space<hbm>> -> memref<1568x8xf32, #tpu.memory_space<hbm>>
      %dma_wait3A_82 = arith.constant 8 : i32
      %dma_wait3A_83 = tpu.memref_slice %arg3[%add3A_28, %dma_wait3A_82] : memref<401408x95xf32, #tpu.memory_space<hbm>> -> memref<1568x8xf32, #tpu.memory_space<hbm>>
      tpu.wait_dma2 semaphore(%run_scoped3A : memref<!tpu.dma_semaphore, #tpu.memory_space<semaphore_mem>>) src(%dma_wait3A_83 : memref<1568x8xf32, #tpu.memory_space<hbm>>) dst(%arg6 : memref<1568x8xf32, #tpu.memory_space<vmem>>)
      tpu.yield
    }) : () -> ()
    %scan3A_29 = arith.constant 0 : i32
    %scan3A_30 = arith.constant 98 : i32
    %scan3A_31 = arith.addi %scan3A_29, %scan3A_30 : i32
    %scan3A_32 = arith.constant 1 : i32
    %scan3A_33:2 = scf.for %scan3A_78 = %scan3A_29 to %scan3A_31 step %scan3A_32 iter_args(%scan3A_79 = %scan3A_25#0, %scan3A_80 = %scan3A_25#1) -> (vector<16xf32>, vector<16xf32>)  : i32 {
      %mul3A_81 = arith.constant 16 : i32
      %mul3A_82 = arith.muli %scan3A_78, %mul3A_81 : i32
      %add3A_83 = vector.broadcast %mul3A_82 : i32 to vector<16xi32>
      %add3A_84 = arith.addi %add3A_83, %iota3A : vector<16xi32>
      %gather3A = tpu.vector_load_idx %arg6[%add3A_84, %broadcast_in_dim3A_3] : memref<1568x8xf32, #tpu.memory_space<vmem>>[vector<16xi32>, vector<16xi32>], vector<16xf32>,
      %gather3A_85 = tpu.vector_load_idx %arg6[%add3A_84, %broadcast_in_dim3A_5] : memref<1568x8xf32, #tpu.memory_space<vmem>>[vector<16xi32>, vector<16xi32>], vector<16xf32>,
      %gather3A_86 = tpu.vector_load_idx %arg6[%add3A_84, %broadcast_in_dim3A_7] : memref<1568x8xf32, #tpu.memory_space<vmem>>[vector<16xi32>, vector<16xi32>], vector<16xf32>,
      %gather3A_87 = tpu.vector_load_idx %arg5[%add3A_84, %broadcast_in_dim3A_3] : memref<1568x8xf32, #tpu.memory_space<vmem>>[vector<16xi32>, vector<16xi32>], vector<16xf32>,
      %gather3A_88 = tpu.vector_load_idx %arg5[%add3A_84, %broadcast_in_dim3A_5] : memref<1568x8xf32, #tpu.memory_space<vmem>>[vector<16xi32>, vector<16xi32>], vector<16xf32>,
      %gather3A_89 = tpu.vector_load_idx %arg5[%add3A_84, %broadcast_in_dim3A_7] : memref<1568x8xf32, #tpu.memory_space<vmem>>[vector<16xi32>, vector<16xi32>], vector<16xf32>,
      %add3A_90 = arith.addf %gather3A, %gather3A_85 : vector<16xf32>
      %add3A_91 = arith.addf %add3A_90, %gather3A_86 : vector<16xf32>
      %eq3A = arith.constant 0.000000e+00 : f32
      %eq3A_92 = vector.broadcast %eq3A : f32 to vector<16xf32>
      %eq3A_93 = arith.cmpf oeq, %add3A_91, %eq3A_92 : vector<16xf32>
      %mul3A_94 = arith.mulf %gather3A_87, %gather3A_87 : vector<16xf32>
      %mul3A_95 = arith.mulf %gather3A_88, %gather3A_88 : vector<16xf32>
      %add3A_96 = arith.addf %mul3A_94, %mul3A_95 : vector<16xf32>
      %mul3A_97 = arith.mulf %gather3A_89, %gather3A_89 : vector<16xf32>
      %add3A_98 = arith.addf %add3A_96, %mul3A_97 : vector<16xf32>
      %jit3A = arith.constant 0.000000e+00 : f32
      %broadcast_in_dim3A_99 = vector.broadcast %jit3A : f32 to vector<16xf32>
      %select_n3A = arith.select %eq3A_93, %add3A_98, %broadcast_in_dim3A_99 : vector<16xi1>, vector<16xf32>
      %add3A_100 = arith.addf %scan3A_79, %select_n3A : vector<16xf32>
      %max3A = arith.maximumf %gather3A_85, %gather3A_86 : vector<16xf32>
      %max3A_101 = arith.maximumf %gather3A, %max3A : vector<16xf32>
      %max3A_102 = arith.maximumf %scan3A_80, %max3A_101 : vector<16xf32>
      scf.yield %add3A_100, %max3A_102 : vector<16xf32>, vector<16xf32>
    }
    %scan3A_34 = arith.constant 98 : i32
    %add3A_35 = arith.constant 4704 : i32
    %add3A_36 = arith.addi %mul3A_2, %add3A_35 : i32
    "tpu.region"() ({
      %run_scoped3A = tpu.sem_alloc : memref<!tpu.dma_semaphore, #tpu.memory_space<semaphore_mem>>
      %dma_start3A = arith.constant 8 : i32
      %dma_start3A_78 = tpu.memref_slice %arg2[%add3A_36, %dma_start3A] : memref<401408x95xf32, #tpu.memory_space<hbm>> -> memref<1568x8xf32, #tpu.memory_space<hbm>>
      %dma_start3A_79 = arith.constant 8 : i32
      %dma_start3A_80 = tpu.memref_slice %arg2[%add3A_36, %dma_start3A_79] : memref<401408x95xf32, #tpu.memory_space<hbm>> -> memref<1568x8xf32, #tpu.memory_space<hbm>>
      tpu.enqueue_dma source(%dma_start3A_80 : memref<1568x8xf32, #tpu.memory_space<hbm>>) target(%arg5 : memref<1568x8xf32, #tpu.memory_space<vmem>>) target_semaphore(%run_scoped3A : memref<!tpu.dma_semaphore, #tpu.memory_space<semaphore_mem>>)
      %dma_wait3A = arith.constant 8 : i32
      %dma_wait3A_81 = tpu.memref_slice %arg2[%add3A_36, %dma_wait3A] : memref<401408x95xf32, #tpu.memory_space<hbm>> -> memref<1568x8xf32, #tpu.memory_space<hbm>>
      %dma_wait3A_82 = arith.constant 8 : i32
      %dma_wait3A_83 = tpu.memref_slice %arg2[%add3A_36, %dma_wait3A_82] : memref<401408x95xf32, #tpu.memory_space<hbm>> -> memref<1568x8xf32, #tpu.memory_space<hbm>>
      tpu.wait_dma2 semaphore(%run_scoped3A : memref<!tpu.dma_semaphore, #tpu.memory_space<semaphore_mem>>) src(%dma_wait3A_83 : memref<1568x8xf32, #tpu.memory_space<hbm>>) dst(%arg5 : memref<1568x8xf32, #tpu.memory_space<vmem>>)
      tpu.yield
    }) : () -> ()
    "tpu.region"() ({
      %run_scoped3A = tpu.sem_alloc : memref<!tpu.dma_semaphore, #tpu.memory_space<semaphore_mem>>
      %dma_start3A = arith.constant 8 : i32
      %dma_start3A_78 = tpu.memref_slice %arg3[%add3A_36, %dma_start3A] : memref<401408x95xf32, #tpu.memory_space<hbm>> -> memref<1568x8xf32, #tpu.memory_space<hbm>>
      %dma_start3A_79 = arith.constant 8 : i32
      %dma_start3A_80 = tpu.memref_slice %arg3[%add3A_36, %dma_start3A_79] : memref<401408x95xf32, #tpu.memory_space<hbm>> -> memref<1568x8xf32, #tpu.memory_space<hbm>>
      tpu.enqueue_dma source(%dma_start3A_80 : memref<1568x8xf32, #tpu.memory_space<hbm>>) target(%arg6 : memref<1568x8xf32, #tpu.memory_space<vmem>>) target_semaphore(%run_scoped3A : memref<!tpu.dma_semaphore, #tpu.memory_space<semaphore_mem>>)
      %dma_wait3A = arith.constant 8 : i32
      %dma_wait3A_81 = tpu.memref_slice %arg3[%add3A_36, %dma_wait3A] : memref<401408x95xf32, #tpu.memory_space<hbm>> -> memref<1568x8xf32, #tpu.memory_space<hbm>>
      %dma_wait3A_82 = arith.constant 8 : i32
      %dma_wait3A_83 = tpu.memref_slice %arg3[%add3A_36, %dma_wait3A_82] : memref<401408x95xf32, #tpu.memory_space<hbm>> -> memref<1568x8xf32, #tpu.memory_space<hbm>>
      tpu.wait_dma2 semaphore(%run_scoped3A : memref<!tpu.dma_semaphore, #tpu.memory_space<semaphore_mem>>) src(%dma_wait3A_83 : memref<1568x8xf32, #tpu.memory_space<hbm>>) dst(%arg6 : memref<1568x8xf32, #tpu.memory_space<vmem>>)
      tpu.yield
    }) : () -> ()
    %scan3A_37 = arith.constant 0 : i32
    %scan3A_38 = arith.constant 98 : i32
    %scan3A_39 = arith.addi %scan3A_37, %scan3A_38 : i32
    %scan3A_40 = arith.constant 1 : i32
    %scan3A_41:2 = scf.for %scan3A_78 = %scan3A_37 to %scan3A_39 step %scan3A_40 iter_args(%scan3A_79 = %scan3A_33#0, %scan3A_80 = %scan3A_33#1) -> (vector<16xf32>, vector<16xf32>)  : i32 {
      %mul3A_81 = arith.constant 16 : i32
      %mul3A_82 = arith.muli %scan3A_78, %mul3A_81 : i32
      %add3A_83 = vector.broadcast %mul3A_82 : i32 to vector<16xi32>
      %add3A_84 = arith.addi %add3A_83, %iota3A : vector<16xi32>
      %gather3A = tpu.vector_load_idx %arg6[%add3A_84, %broadcast_in_dim3A_3] : memref<1568x8xf32, #tpu.memory_space<vmem>>[vector<16xi32>, vector<16xi32>], vector<16xf32>,
      %gather3A_85 = tpu.vector_load_idx %arg6[%add3A_84, %broadcast_in_dim3A_5] : memref<1568x8xf32, #tpu.memory_space<vmem>>[vector<16xi32>, vector<16xi32>], vector<16xf32>,
      %gather3A_86 = tpu.vector_load_idx %arg6[%add3A_84, %broadcast_in_dim3A_7] : memref<1568x8xf32, #tpu.memory_space<vmem>>[vector<16xi32>, vector<16xi32>], vector<16xf32>,
      %gather3A_87 = tpu.vector_load_idx %arg5[%add3A_84, %broadcast_in_dim3A_3] : memref<1568x8xf32, #tpu.memory_space<vmem>>[vector<16xi32>, vector<16xi32>], vector<16xf32>,
      %gather3A_88 = tpu.vector_load_idx %arg5[%add3A_84, %broadcast_in_dim3A_5] : memref<1568x8xf32, #tpu.memory_space<vmem>>[vector<16xi32>, vector<16xi32>], vector<16xf32>,
      %gather3A_89 = tpu.vector_load_idx %arg5[%add3A_84, %broadcast_in_dim3A_7] : memref<1568x8xf32, #tpu.memory_space<vmem>>[vector<16xi32>, vector<16xi32>], vector<16xf32>,
      %add3A_90 = arith.addf %gather3A, %gather3A_85 : vector<16xf32>
      %add3A_91 = arith.addf %add3A_90, %gather3A_86 : vector<16xf32>
      %eq3A = arith.constant 0.000000e+00 : f32
      %eq3A_92 = vector.broadcast %eq3A : f32 to vector<16xf32>
      %eq3A_93 = arith.cmpf oeq, %add3A_91, %eq3A_92 : vector<16xf32>
      %mul3A_94 = arith.mulf %gather3A_87, %gather3A_87 : vector<16xf32>
      %mul3A_95 = arith.mulf %gather3A_88, %gather3A_88 : vector<16xf32>
      %add3A_96 = arith.addf %mul3A_94, %mul3A_95 : vector<16xf32>
      %mul3A_97 = arith.mulf %gather3A_89, %gather3A_89 : vector<16xf32>
      %add3A_98 = arith.addf %add3A_96, %mul3A_97 : vector<16xf32>
      %jit3A = arith.constant 0.000000e+00 : f32
      %broadcast_in_dim3A_99 = vector.broadcast %jit3A : f32 to vector<16xf32>
      %select_n3A = arith.select %eq3A_93, %add3A_98, %broadcast_in_dim3A_99 : vector<16xi1>, vector<16xf32>
      %add3A_100 = arith.addf %scan3A_79, %select_n3A : vector<16xf32>
      %max3A = arith.maximumf %gather3A_85, %gather3A_86 : vector<16xf32>
      %max3A_101 = arith.maximumf %gather3A, %max3A : vector<16xf32>
      %max3A_102 = arith.maximumf %scan3A_80, %max3A_101 : vector<16xf32>
      scf.yield %add3A_100, %max3A_102 : vector<16xf32>, vector<16xf32>
    }
    %scan3A_42 = arith.constant 98 : i32
    %add3A_43 = arith.constant 6272 : i32
    %add3A_44 = arith.addi %mul3A_2, %add3A_43 : i32
    "tpu.region"() ({
      %run_scoped3A = tpu.sem_alloc : memref<!tpu.dma_semaphore, #tpu.memory_space<semaphore_mem>>
      %dma_start3A = arith.constant 8 : i32
      %dma_start3A_78 = tpu.memref_slice %arg2[%add3A_44, %dma_start3A] : memref<401408x95xf32, #tpu.memory_space<hbm>> -> memref<1568x8xf32, #tpu.memory_space<hbm>>
      %dma_start3A_79 = arith.constant 8 : i32
      %dma_start3A_80 = tpu.memref_slice %arg2[%add3A_44, %dma_start3A_79] : memref<401408x95xf32, #tpu.memory_space<hbm>> -> memref<1568x8xf32, #tpu.memory_space<hbm>>
      tpu.enqueue_dma source(%dma_start3A_80 : memref<1568x8xf32, #tpu.memory_space<hbm>>) target(%arg5 : memref<1568x8xf32, #tpu.memory_space<vmem>>) target_semaphore(%run_scoped3A : memref<!tpu.dma_semaphore, #tpu.memory_space<semaphore_mem>>)
      %dma_wait3A = arith.constant 8 : i32
      %dma_wait3A_81 = tpu.memref_slice %arg2[%add3A_44, %dma_wait3A] : memref<401408x95xf32, #tpu.memory_space<hbm>> -> memref<1568x8xf32, #tpu.memory_space<hbm>>
      %dma_wait3A_82 = arith.constant 8 : i32
      %dma_wait3A_83 = tpu.memref_slice %arg2[%add3A_44, %dma_wait3A_82] : memref<401408x95xf32, #tpu.memory_space<hbm>> -> memref<1568x8xf32, #tpu.memory_space<hbm>>
      tpu.wait_dma2 semaphore(%run_scoped3A : memref<!tpu.dma_semaphore, #tpu.memory_space<semaphore_mem>>) src(%dma_wait3A_83 : memref<1568x8xf32, #tpu.memory_space<hbm>>) dst(%arg5 : memref<1568x8xf32, #tpu.memory_space<vmem>>)
      tpu.yield
    }) : () -> ()
    "tpu.region"() ({
      %run_scoped3A = tpu.sem_alloc : memref<!tpu.dma_semaphore, #tpu.memory_space<semaphore_mem>>
      %dma_start3A = arith.constant 8 : i32
      %dma_start3A_78 = tpu.memref_slice %arg3[%add3A_44, %dma_start3A] : memref<401408x95xf32, #tpu.memory_space<hbm>> -> memref<1568x8xf32, #tpu.memory_space<hbm>>
      %dma_start3A_79 = arith.constant 8 : i32
      %dma_start3A_80 = tpu.memref_slice %arg3[%add3A_44, %dma_start3A_79] : memref<401408x95xf32, #tpu.memory_space<hbm>> -> memref<1568x8xf32, #tpu.memory_space<hbm>>
      tpu.enqueue_dma source(%dma_start3A_80 : memref<1568x8xf32, #tpu.memory_space<hbm>>) target(%arg6 : memref<1568x8xf32, #tpu.memory_space<vmem>>) target_semaphore(%run_scoped3A : memref<!tpu.dma_semaphore, #tpu.memory_space<semaphore_mem>>)
      %dma_wait3A = arith.constant 8 : i32
      %dma_wait3A_81 = tpu.memref_slice %arg3[%add3A_44, %dma_wait3A] : memref<401408x95xf32, #tpu.memory_space<hbm>> -> memref<1568x8xf32, #tpu.memory_space<hbm>>
      %dma_wait3A_82 = arith.constant 8 : i32
      %dma_wait3A_83 = tpu.memref_slice %arg3[%add3A_44, %dma_wait3A_82] : memref<401408x95xf32, #tpu.memory_space<hbm>> -> memref<1568x8xf32, #tpu.memory_space<hbm>>
      tpu.wait_dma2 semaphore(%run_scoped3A : memref<!tpu.dma_semaphore, #tpu.memory_space<semaphore_mem>>) src(%dma_wait3A_83 : memref<1568x8xf32, #tpu.memory_space<hbm>>) dst(%arg6 : memref<1568x8xf32, #tpu.memory_space<vmem>>)
      tpu.yield
    }) : () -> ()
    %scan3A_45 = arith.constant 0 : i32
    %scan3A_46 = arith.constant 98 : i32
    %scan3A_47 = arith.addi %scan3A_45, %scan3A_46 : i32
    %scan3A_48 = arith.constant 1 : i32
    %scan3A_49:2 = scf.for %scan3A_78 = %scan3A_45 to %scan3A_47 step %scan3A_48 iter_args(%scan3A_79 = %scan3A_41#0, %scan3A_80 = %scan3A_41#1) -> (vector<16xf32>, vector<16xf32>)  : i32 {
      %mul3A_81 = arith.constant 16 : i32
      %mul3A_82 = arith.muli %scan3A_78, %mul3A_81 : i32
      %add3A_83 = vector.broadcast %mul3A_82 : i32 to vector<16xi32>
      %add3A_84 = arith.addi %add3A_83, %iota3A : vector<16xi32>
      %gather3A = tpu.vector_load_idx %arg6[%add3A_84, %broadcast_in_dim3A_3] : memref<1568x8xf32, #tpu.memory_space<vmem>>[vector<16xi32>, vector<16xi32>], vector<16xf32>,
      %gather3A_85 = tpu.vector_load_idx %arg6[%add3A_84, %broadcast_in_dim3A_5] : memref<1568x8xf32, #tpu.memory_space<vmem>>[vector<16xi32>, vector<16xi32>], vector<16xf32>,
      %gather3A_86 = tpu.vector_load_idx %arg6[%add3A_84, %broadcast_in_dim3A_7] : memref<1568x8xf32, #tpu.memory_space<vmem>>[vector<16xi32>, vector<16xi32>], vector<16xf32>,
      %gather3A_87 = tpu.vector_load_idx %arg5[%add3A_84, %broadcast_in_dim3A_3] : memref<1568x8xf32, #tpu.memory_space<vmem>>[vector<16xi32>, vector<16xi32>], vector<16xf32>,
      %gather3A_88 = tpu.vector_load_idx %arg5[%add3A_84, %broadcast_in_dim3A_5] : memref<1568x8xf32, #tpu.memory_space<vmem>>[vector<16xi32>, vector<16xi32>], vector<16xf32>,
      %gather3A_89 = tpu.vector_load_idx %arg5[%add3A_84, %broadcast_in_dim3A_7] : memref<1568x8xf32, #tpu.memory_space<vmem>>[vector<16xi32>, vector<16xi32>], vector<16xf32>,
      %add3A_90 = arith.addf %gather3A, %gather3A_85 : vector<16xf32>
      %add3A_91 = arith.addf %add3A_90, %gather3A_86 : vector<16xf32>
      %eq3A = arith.constant 0.000000e+00 : f32
      %eq3A_92 = vector.broadcast %eq3A : f32 to vector<16xf32>
      %eq3A_93 = arith.cmpf oeq, %add3A_91, %eq3A_92 : vector<16xf32>
      %mul3A_94 = arith.mulf %gather3A_87, %gather3A_87 : vector<16xf32>
      %mul3A_95 = arith.mulf %gather3A_88, %gather3A_88 : vector<16xf32>
      %add3A_96 = arith.addf %mul3A_94, %mul3A_95 : vector<16xf32>
      %mul3A_97 = arith.mulf %gather3A_89, %gather3A_89 : vector<16xf32>
      %add3A_98 = arith.addf %add3A_96, %mul3A_97 : vector<16xf32>
      %jit3A = arith.constant 0.000000e+00 : f32
      %broadcast_in_dim3A_99 = vector.broadcast %jit3A : f32 to vector<16xf32>
      %select_n3A = arith.select %eq3A_93, %add3A_98, %broadcast_in_dim3A_99 : vector<16xi1>, vector<16xf32>
      %add3A_100 = arith.addf %scan3A_79, %select_n3A : vector<16xf32>
      %max3A = arith.maximumf %gather3A_85, %gather3A_86 : vector<16xf32>
      %max3A_101 = arith.maximumf %gather3A, %max3A : vector<16xf32>
      %max3A_102 = arith.maximumf %scan3A_80, %max3A_101 : vector<16xf32>
      scf.yield %add3A_100, %max3A_102 : vector<16xf32>, vector<16xf32>
    }
    %scan3A_50 = arith.constant 98 : i32
    %add3A_51 = arith.constant 7840 : i32
    %add3A_52 = arith.addi %mul3A_2, %add3A_51 : i32
    "tpu.region"() ({
      %run_scoped3A = tpu.sem_alloc : memref<!tpu.dma_semaphore, #tpu.memory_space<semaphore_mem>>
      %dma_start3A = arith.constant 8 : i32
      %dma_start3A_78 = tpu.memref_slice %arg2[%add3A_52, %dma_start3A] : memref<401408x95xf32, #tpu.memory_space<hbm>> -> memref<1568x8xf32, #tpu.memory_space<hbm>>
      %dma_start3A_79 = arith.constant 8 : i32
      %dma_start3A_80 = tpu.memref_slice %arg2[%add3A_52, %dma_start3A_79] : memref<401408x95xf32, #tpu.memory_space<hbm>> -> memref<1568x8xf32, #tpu.memory_space<hbm>>
      tpu.enqueue_dma source(%dma_start3A_80 : memref<1568x8xf32, #tpu.memory_space<hbm>>) target(%arg5 : memref<1568x8xf32, #tpu.memory_space<vmem>>) target_semaphore(%run_scoped3A : memref<!tpu.dma_semaphore, #tpu.memory_space<semaphore_mem>>)
      %dma_wait3A = arith.constant 8 : i32
      %dma_wait3A_81 = tpu.memref_slice %arg2[%add3A_52, %dma_wait3A] : memref<401408x95xf32, #tpu.memory_space<hbm>> -> memref<1568x8xf32, #tpu.memory_space<hbm>>
      %dma_wait3A_82 = arith.constant 8 : i32
      %dma_wait3A_83 = tpu.memref_slice %arg2[%add3A_52, %dma_wait3A_82] : memref<401408x95xf32, #tpu.memory_space<hbm>> -> memref<1568x8xf32, #tpu.memory_space<hbm>>
      tpu.wait_dma2 semaphore(%run_scoped3A : memref<!tpu.dma_semaphore, #tpu.memory_space<semaphore_mem>>) src(%dma_wait3A_83 : memref<1568x8xf32, #tpu.memory_space<hbm>>) dst(%arg5 : memref<1568x8xf32, #tpu.memory_space<vmem>>)
      tpu.yield
    }) : () -> ()
    "tpu.region"() ({
      %run_scoped3A = tpu.sem_alloc : memref<!tpu.dma_semaphore, #tpu.memory_space<semaphore_mem>>
      %dma_start3A = arith.constant 8 : i32
      %dma_start3A_78 = tpu.memref_slice %arg3[%add3A_52, %dma_start3A] : memref<401408x95xf32, #tpu.memory_space<hbm>> -> memref<1568x8xf32, #tpu.memory_space<hbm>>
      %dma_start3A_79 = arith.constant 8 : i32
      %dma_start3A_80 = tpu.memref_slice %arg3[%add3A_52, %dma_start3A_79] : memref<401408x95xf32, #tpu.memory_space<hbm>> -> memref<1568x8xf32, #tpu.memory_space<hbm>>
      tpu.enqueue_dma source(%dma_start3A_80 : memref<1568x8xf32, #tpu.memory_space<hbm>>) target(%arg6 : memref<1568x8xf32, #tpu.memory_space<vmem>>) target_semaphore(%run_scoped3A : memref<!tpu.dma_semaphore, #tpu.memory_space<semaphore_mem>>)
      %dma_wait3A = arith.constant 8 : i32
      %dma_wait3A_81 = tpu.memref_slice %arg3[%add3A_52, %dma_wait3A] : memref<401408x95xf32, #tpu.memory_space<hbm>> -> memref<1568x8xf32, #tpu.memory_space<hbm>>
      %dma_wait3A_82 = arith.constant 8 : i32
      %dma_wait3A_83 = tpu.memref_slice %arg3[%add3A_52, %dma_wait3A_82] : memref<401408x95xf32, #tpu.memory_space<hbm>> -> memref<1568x8xf32, #tpu.memory_space<hbm>>
      tpu.wait_dma2 semaphore(%run_scoped3A : memref<!tpu.dma_semaphore, #tpu.memory_space<semaphore_mem>>) src(%dma_wait3A_83 : memref<1568x8xf32, #tpu.memory_space<hbm>>) dst(%arg6 : memref<1568x8xf32, #tpu.memory_space<vmem>>)
      tpu.yield
    }) : () -> ()
    %scan3A_53 = arith.constant 0 : i32
    %scan3A_54 = arith.constant 98 : i32
    %scan3A_55 = arith.addi %scan3A_53, %scan3A_54 : i32
    %scan3A_56 = arith.constant 1 : i32
    %scan3A_57:2 = scf.for %scan3A_78 = %scan3A_53 to %scan3A_55 step %scan3A_56 iter_args(%scan3A_79 = %scan3A_49#0, %scan3A_80 = %scan3A_49#1) -> (vector<16xf32>, vector<16xf32>)  : i32 {
      %mul3A_81 = arith.constant 16 : i32
      %mul3A_82 = arith.muli %scan3A_78, %mul3A_81 : i32
      %add3A_83 = vector.broadcast %mul3A_82 : i32 to vector<16xi32>
      %add3A_84 = arith.addi %add3A_83, %iota3A : vector<16xi32>
      %gather3A = tpu.vector_load_idx %arg6[%add3A_84, %broadcast_in_dim3A_3] : memref<1568x8xf32, #tpu.memory_space<vmem>>[vector<16xi32>, vector<16xi32>], vector<16xf32>,
      %gather3A_85 = tpu.vector_load_idx %arg6[%add3A_84, %broadcast_in_dim3A_5] : memref<1568x8xf32, #tpu.memory_space<vmem>>[vector<16xi32>, vector<16xi32>], vector<16xf32>,
      %gather3A_86 = tpu.vector_load_idx %arg6[%add3A_84, %broadcast_in_dim3A_7] : memref<1568x8xf32, #tpu.memory_space<vmem>>[vector<16xi32>, vector<16xi32>], vector<16xf32>,
      %gather3A_87 = tpu.vector_load_idx %arg5[%add3A_84, %broadcast_in_dim3A_3] : memref<1568x8xf32, #tpu.memory_space<vmem>>[vector<16xi32>, vector<16xi32>], vector<16xf32>,
      %gather3A_88 = tpu.vector_load_idx %arg5[%add3A_84, %broadcast_in_dim3A_5] : memref<1568x8xf32, #tpu.memory_space<vmem>>[vector<16xi32>, vector<16xi32>], vector<16xf32>,
      %gather3A_89 = tpu.vector_load_idx %arg5[%add3A_84, %broadcast_in_dim3A_7] : memref<1568x8xf32, #tpu.memory_space<vmem>>[vector<16xi32>, vector<16xi32>], vector<16xf32>,
      %add3A_90 = arith.addf %gather3A, %gather3A_85 : vector<16xf32>
      %add3A_91 = arith.addf %add3A_90, %gather3A_86 : vector<16xf32>
      %eq3A = arith.constant 0.000000e+00 : f32
      %eq3A_92 = vector.broadcast %eq3A : f32 to vector<16xf32>
      %eq3A_93 = arith.cmpf oeq, %add3A_91, %eq3A_92 : vector<16xf32>
      %mul3A_94 = arith.mulf %gather3A_87, %gather3A_87 : vector<16xf32>
      %mul3A_95 = arith.mulf %gather3A_88, %gather3A_88 : vector<16xf32>
      %add3A_96 = arith.addf %mul3A_94, %mul3A_95 : vector<16xf32>
      %mul3A_97 = arith.mulf %gather3A_89, %gather3A_89 : vector<16xf32>
      %add3A_98 = arith.addf %add3A_96, %mul3A_97 : vector<16xf32>
      %jit3A = arith.constant 0.000000e+00 : f32
      %broadcast_in_dim3A_99 = vector.broadcast %jit3A : f32 to vector<16xf32>
      %select_n3A = arith.select %eq3A_93, %add3A_98, %broadcast_in_dim3A_99 : vector<16xi1>, vector<16xf32>
      %add3A_100 = arith.addf %scan3A_79, %select_n3A : vector<16xf32>
      %max3A = arith.maximumf %gather3A_85, %gather3A_86 : vector<16xf32>
      %max3A_101 = arith.maximumf %gather3A, %max3A : vector<16xf32>
      %max3A_102 = arith.maximumf %scan3A_80, %max3A_101 : vector<16xf32>
      scf.yield %add3A_100, %max3A_102 : vector<16xf32>, vector<16xf32>
    }
    %scan3A_58 = arith.constant 98 : i32
    %add3A_59 = arith.constant 9408 : i32
    %add3A_60 = arith.addi %mul3A_2, %add3A_59 : i32
    "tpu.region"() ({
      %run_scoped3A = tpu.sem_alloc : memref<!tpu.dma_semaphore, #tpu.memory_space<semaphore_mem>>
      %dma_start3A = arith.constant 8 : i32
      %dma_start3A_78 = tpu.memref_slice %arg2[%add3A_60, %dma_start3A] : memref<401408x95xf32, #tpu.memory_space<hbm>> -> memref<1568x8xf32, #tpu.memory_space<hbm>>
      %dma_start3A_79 = arith.constant 8 : i32
      %dma_start3A_80 = tpu.memref_slice %arg2[%add3A_60, %dma_start3A_79] : memref<401408x95xf32, #tpu.memory_space<hbm>> -> memref<1568x8xf32, #tpu.memory_space<hbm>>
      tpu.enqueue_dma source(%dma_start3A_80 : memref<1568x8xf32, #tpu.memory_space<hbm>>) target(%arg5 : memref<1568x8xf32, #tpu.memory_space<vmem>>) target_semaphore(%run_scoped3A : memref<!tpu.dma_semaphore, #tpu.memory_space<semaphore_mem>>)
      %dma_wait3A = arith.constant 8 : i32
      %dma_wait3A_81 = tpu.memref_slice %arg2[%add3A_60, %dma_wait3A] : memref<401408x95xf32, #tpu.memory_space<hbm>> -> memref<1568x8xf32, #tpu.memory_space<hbm>>
      %dma_wait3A_82 = arith.constant 8 : i32
      %dma_wait3A_83 = tpu.memref_slice %arg2[%add3A_60, %dma_wait3A_82] : memref<401408x95xf32, #tpu.memory_space<hbm>> -> memref<1568x8xf32, #tpu.memory_space<hbm>>
      tpu.wait_dma2 semaphore(%run_scoped3A : memref<!tpu.dma_semaphore, #tpu.memory_space<semaphore_mem>>) src(%dma_wait3A_83 : memref<1568x8xf32, #tpu.memory_space<hbm>>) dst(%arg5 : memref<1568x8xf32, #tpu.memory_space<vmem>>)
      tpu.yield
    }) : () -> ()
    "tpu.region"() ({
      %run_scoped3A = tpu.sem_alloc : memref<!tpu.dma_semaphore, #tpu.memory_space<semaphore_mem>>
      %dma_start3A = arith.constant 8 : i32
      %dma_start3A_78 = tpu.memref_slice %arg3[%add3A_60, %dma_start3A] : memref<401408x95xf32, #tpu.memory_space<hbm>> -> memref<1568x8xf32, #tpu.memory_space<hbm>>
      %dma_start3A_79 = arith.constant 8 : i32
      %dma_start3A_80 = tpu.memref_slice %arg3[%add3A_60, %dma_start3A_79] : memref<401408x95xf32, #tpu.memory_space<hbm>> -> memref<1568x8xf32, #tpu.memory_space<hbm>>
      tpu.enqueue_dma source(%dma_start3A_80 : memref<1568x8xf32, #tpu.memory_space<hbm>>) target(%arg6 : memref<1568x8xf32, #tpu.memory_space<vmem>>) target_semaphore(%run_scoped3A : memref<!tpu.dma_semaphore, #tpu.memory_space<semaphore_mem>>)
      %dma_wait3A = arith.constant 8 : i32
      %dma_wait3A_81 = tpu.memref_slice %arg3[%add3A_60, %dma_wait3A] : memref<401408x95xf32, #tpu.memory_space<hbm>> -> memref<1568x8xf32, #tpu.memory_space<hbm>>
      %dma_wait3A_82 = arith.constant 8 : i32
      %dma_wait3A_83 = tpu.memref_slice %arg3[%add3A_60, %dma_wait3A_82] : memref<401408x95xf32, #tpu.memory_space<hbm>> -> memref<1568x8xf32, #tpu.memory_space<hbm>>
      tpu.wait_dma2 semaphore(%run_scoped3A : memref<!tpu.dma_semaphore, #tpu.memory_space<semaphore_mem>>) src(%dma_wait3A_83 : memref<1568x8xf32, #tpu.memory_space<hbm>>) dst(%arg6 : memref<1568x8xf32, #tpu.memory_space<vmem>>)
      tpu.yield
    }) : () -> ()
    %scan3A_61 = arith.constant 0 : i32
    %scan3A_62 = arith.constant 98 : i32
    %scan3A_63 = arith.addi %scan3A_61, %scan3A_62 : i32
    %scan3A_64 = arith.constant 1 : i32
    %scan3A_65:2 = scf.for %scan3A_78 = %scan3A_61 to %scan3A_63 step %scan3A_64 iter_args(%scan3A_79 = %scan3A_57#0, %scan3A_80 = %scan3A_57#1) -> (vector<16xf32>, vector<16xf32>)  : i32 {
      %mul3A_81 = arith.constant 16 : i32
      %mul3A_82 = arith.muli %scan3A_78, %mul3A_81 : i32
      %add3A_83 = vector.broadcast %mul3A_82 : i32 to vector<16xi32>
      %add3A_84 = arith.addi %add3A_83, %iota3A : vector<16xi32>
      %gather3A = tpu.vector_load_idx %arg6[%add3A_84, %broadcast_in_dim3A_3] : memref<1568x8xf32, #tpu.memory_space<vmem>>[vector<16xi32>, vector<16xi32>], vector<16xf32>,
      %gather3A_85 = tpu.vector_load_idx %arg6[%add3A_84, %broadcast_in_dim3A_5] : memref<1568x8xf32, #tpu.memory_space<vmem>>[vector<16xi32>, vector<16xi32>], vector<16xf32>,
      %gather3A_86 = tpu.vector_load_idx %arg6[%add3A_84, %broadcast_in_dim3A_7] : memref<1568x8xf32, #tpu.memory_space<vmem>>[vector<16xi32>, vector<16xi32>], vector<16xf32>,
      %gather3A_87 = tpu.vector_load_idx %arg5[%add3A_84, %broadcast_in_dim3A_3] : memref<1568x8xf32, #tpu.memory_space<vmem>>[vector<16xi32>, vector<16xi32>], vector<16xf32>,
      %gather3A_88 = tpu.vector_load_idx %arg5[%add3A_84, %broadcast_in_dim3A_5] : memref<1568x8xf32, #tpu.memory_space<vmem>>[vector<16xi32>, vector<16xi32>], vector<16xf32>,
      %gather3A_89 = tpu.vector_load_idx %arg5[%add3A_84, %broadcast_in_dim3A_7] : memref<1568x8xf32, #tpu.memory_space<vmem>>[vector<16xi32>, vector<16xi32>], vector<16xf32>,
      %add3A_90 = arith.addf %gather3A, %gather3A_85 : vector<16xf32>
      %add3A_91 = arith.addf %add3A_90, %gather3A_86 : vector<16xf32>
      %eq3A = arith.constant 0.000000e+00 : f32
      %eq3A_92 = vector.broadcast %eq3A : f32 to vector<16xf32>
      %eq3A_93 = arith.cmpf oeq, %add3A_91, %eq3A_92 : vector<16xf32>
      %mul3A_94 = arith.mulf %gather3A_87, %gather3A_87 : vector<16xf32>
      %mul3A_95 = arith.mulf %gather3A_88, %gather3A_88 : vector<16xf32>
      %add3A_96 = arith.addf %mul3A_94, %mul3A_95 : vector<16xf32>
      %mul3A_97 = arith.mulf %gather3A_89, %gather3A_89 : vector<16xf32>
      %add3A_98 = arith.addf %add3A_96, %mul3A_97 : vector<16xf32>
      %jit3A = arith.constant 0.000000e+00 : f32
      %broadcast_in_dim3A_99 = vector.broadcast %jit3A : f32 to vector<16xf32>
      %select_n3A = arith.select %eq3A_93, %add3A_98, %broadcast_in_dim3A_99 : vector<16xi1>, vector<16xf32>
      %add3A_100 = arith.addf %scan3A_79, %select_n3A : vector<16xf32>
      %max3A = arith.maximumf %gather3A_85, %gather3A_86 : vector<16xf32>
      %max3A_101 = arith.maximumf %gather3A, %max3A : vector<16xf32>
      %max3A_102 = arith.maximumf %scan3A_80, %max3A_101 : vector<16xf32>
      scf.yield %add3A_100, %max3A_102 : vector<16xf32>, vector<16xf32>
    }
    %scan3A_66 = arith.constant 98 : i32
    %add3A_67 = arith.constant 10976 : i32
    %add3A_68 = arith.addi %mul3A_2, %add3A_67 : i32
    "tpu.region"() ({
      %run_scoped3A = tpu.sem_alloc : memref<!tpu.dma_semaphore, #tpu.memory_space<semaphore_mem>>
      %dma_start3A = arith.constant 8 : i32
      %dma_start3A_78 = tpu.memref_slice %arg2[%add3A_68, %dma_start3A] : memref<401408x95xf32, #tpu.memory_space<hbm>> -> memref<1568x8xf32, #tpu.memory_space<hbm>>
      %dma_start3A_79 = arith.constant 8 : i32
      %dma_start3A_80 = tpu.memref_slice %arg2[%add3A_68, %dma_start3A_79] : memref<401408x95xf32, #tpu.memory_space<hbm>> -> memref<1568x8xf32, #tpu.memory_space<hbm>>
      tpu.enqueue_dma source(%dma_start3A_80 : memref<1568x8xf32, #tpu.memory_space<hbm>>) target(%arg5 : memref<1568x8xf32, #tpu.memory_space<vmem>>) target_semaphore(%run_scoped3A : memref<!tpu.dma_semaphore, #tpu.memory_space<semaphore_mem>>)
      %dma_wait3A = arith.constant 8 : i32
      %dma_wait3A_81 = tpu.memref_slice %arg2[%add3A_68, %dma_wait3A] : memref<401408x95xf32, #tpu.memory_space<hbm>> -> memref<1568x8xf32, #tpu.memory_space<hbm>>
      %dma_wait3A_82 = arith.constant 8 : i32
      %dma_wait3A_83 = tpu.memref_slice %arg2[%add3A_68, %dma_wait3A_82] : memref<401408x95xf32, #tpu.memory_space<hbm>> -> memref<1568x8xf32, #tpu.memory_space<hbm>>
      tpu.wait_dma2 semaphore(%run_scoped3A : memref<!tpu.dma_semaphore, #tpu.memory_space<semaphore_mem>>) src(%dma_wait3A_83 : memref<1568x8xf32, #tpu.memory_space<hbm>>) dst(%arg5 : memref<1568x8xf32, #tpu.memory_space<vmem>>)
      tpu.yield
    }) : () -> ()
    "tpu.region"() ({
      %run_scoped3A = tpu.sem_alloc : memref<!tpu.dma_semaphore, #tpu.memory_space<semaphore_mem>>
      %dma_start3A = arith.constant 8 : i32
      %dma_start3A_78 = tpu.memref_slice %arg3[%add3A_68, %dma_start3A] : memref<401408x95xf32, #tpu.memory_space<hbm>> -> memref<1568x8xf32, #tpu.memory_space<hbm>>
      %dma_start3A_79 = arith.constant 8 : i32
      %dma_start3A_80 = tpu.memref_slice %arg3[%add3A_68, %dma_start3A_79] : memref<401408x95xf32, #tpu.memory_space<hbm>> -> memref<1568x8xf32, #tpu.memory_space<hbm>>
      tpu.enqueue_dma source(%dma_start3A_80 : memref<1568x8xf32, #tpu.memory_space<hbm>>) target(%arg6 : memref<1568x8xf32, #tpu.memory_space<vmem>>) target_semaphore(%run_scoped3A : memref<!tpu.dma_semaphore, #tpu.memory_space<semaphore_mem>>)
      %dma_wait3A = arith.constant 8 : i32
      %dma_wait3A_81 = tpu.memref_slice %arg3[%add3A_68, %dma_wait3A] : memref<401408x95xf32, #tpu.memory_space<hbm>> -> memref<1568x8xf32, #tpu.memory_space<hbm>>
      %dma_wait3A_82 = arith.constant 8 : i32
      %dma_wait3A_83 = tpu.memref_slice %arg3[%add3A_68, %dma_wait3A_82] : memref<401408x95xf32, #tpu.memory_space<hbm>> -> memref<1568x8xf32, #tpu.memory_space<hbm>>
      tpu.wait_dma2 semaphore(%run_scoped3A : memref<!tpu.dma_semaphore, #tpu.memory_space<semaphore_mem>>) src(%dma_wait3A_83 : memref<1568x8xf32, #tpu.memory_space<hbm>>) dst(%arg6 : memref<1568x8xf32, #tpu.memory_space<vmem>>)
      tpu.yield
    }) : () -> ()
    %scan3A_69 = arith.constant 0 : i32
    %scan3A_70 = arith.constant 98 : i32
    %scan3A_71 = arith.addi %scan3A_69, %scan3A_70 : i32
    %scan3A_72 = arith.constant 1 : i32
    %scan3A_73:2 = scf.for %scan3A_78 = %scan3A_69 to %scan3A_71 step %scan3A_72 iter_args(%scan3A_79 = %scan3A_65#0, %scan3A_80 = %scan3A_65#1) -> (vector<16xf32>, vector<16xf32>)  : i32 {
      %mul3A_81 = arith.constant 16 : i32
      %mul3A_82 = arith.muli %scan3A_78, %mul3A_81 : i32
      %add3A_83 = vector.broadcast %mul3A_82 : i32 to vector<16xi32>
      %add3A_84 = arith.addi %add3A_83, %iota3A : vector<16xi32>
      %gather3A = tpu.vector_load_idx %arg6[%add3A_84, %broadcast_in_dim3A_3] : memref<1568x8xf32, #tpu.memory_space<vmem>>[vector<16xi32>, vector<16xi32>], vector<16xf32>,
      %gather3A_85 = tpu.vector_load_idx %arg6[%add3A_84, %broadcast_in_dim3A_5] : memref<1568x8xf32, #tpu.memory_space<vmem>>[vector<16xi32>, vector<16xi32>], vector<16xf32>,
      %gather3A_86 = tpu.vector_load_idx %arg6[%add3A_84, %broadcast_in_dim3A_7] : memref<1568x8xf32, #tpu.memory_space<vmem>>[vector<16xi32>, vector<16xi32>], vector<16xf32>,
      %gather3A_87 = tpu.vector_load_idx %arg5[%add3A_84, %broadcast_in_dim3A_3] : memref<1568x8xf32, #tpu.memory_space<vmem>>[vector<16xi32>, vector<16xi32>], vector<16xf32>,
      %gather3A_88 = tpu.vector_load_idx %arg5[%add3A_84, %broadcast_in_dim3A_5] : memref<1568x8xf32, #tpu.memory_space<vmem>>[vector<16xi32>, vector<16xi32>], vector<16xf32>,
      %gather3A_89 = tpu.vector_load_idx %arg5[%add3A_84, %broadcast_in_dim3A_7] : memref<1568x8xf32, #tpu.memory_space<vmem>>[vector<16xi32>, vector<16xi32>], vector<16xf32>,
      %add3A_90 = arith.addf %gather3A, %gather3A_85 : vector<16xf32>
      %add3A_91 = arith.addf %add3A_90, %gather3A_86 : vector<16xf32>
      %eq3A = arith.constant 0.000000e+00 : f32
      %eq3A_92 = vector.broadcast %eq3A : f32 to vector<16xf32>
      %eq3A_93 = arith.cmpf oeq, %add3A_91, %eq3A_92 : vector<16xf32>
      %mul3A_94 = arith.mulf %gather3A_87, %gather3A_87 : vector<16xf32>
      %mul3A_95 = arith.mulf %gather3A_88, %gather3A_88 : vector<16xf32>
      %add3A_96 = arith.addf %mul3A_94, %mul3A_95 : vector<16xf32>
      %mul3A_97 = arith.mulf %gather3A_89, %gather3A_89 : vector<16xf32>
      %add3A_98 = arith.addf %add3A_96, %mul3A_97 : vector<16xf32>
      %jit3A = arith.constant 0.000000e+00 : f32
      %broadcast_in_dim3A_99 = vector.broadcast %jit3A : f32 to vector<16xf32>
      %select_n3A = arith.select %eq3A_93, %add3A_98, %broadcast_in_dim3A_99 : vector<16xi1>, vector<16xf32>
      %add3A_100 = arith.addf %scan3A_79, %select_n3A : vector<16xf32>
      %max3A = arith.maximumf %gather3A_85, %gather3A_86 : vector<16xf32>
      %max3A_101 = arith.maximumf %gather3A, %max3A : vector<16xf32>
      %max3A_102 = arith.maximumf %scan3A_80, %max3A_101 : vector<16xf32>
      scf.yield %add3A_100, %max3A_102 : vector<16xf32>, vector<16xf32>
    }
    %scan3A_74 = arith.constant 98 : i32
    %swap3A = arith.constant 0 : index
    %swap3A_75 = tpu.vector_load %arg7[%swap3A] {strides = array<i32>} : memref<16xf32, #tpu.memory_space<vmem>>, vector<16xf32>,
    tpu.vector_store %arg7[%swap3A], %scan3A_73#0 {strides = array<i32>} : memref<16xf32, #tpu.memory_space<vmem>>, vector<16xf32>,
    "tpu.region"() ({
      %run_scoped3A = tpu.sem_alloc : memref<!tpu.dma_semaphore, #tpu.memory_space<semaphore_mem>>
      %dma_start3A = arith.constant 0 : i32
      %dma_start3A_78 = tpu.memref_slice %arg4[%add3A, %dma_start3A] : memref<32x32xf32, #tpu.memory_space<hbm>> -> memref<1x16xf32, #tpu.memory_space<hbm>>
      %dma_start3A_79 = tpu.memref_squeeze %dma_start3A_78 : memref<1x16xf32, #tpu.memory_space<hbm>> -> memref<16xf32, #tpu.memory_space<hbm>>
      %dma_start3A_80 = arith.constant 0 : i32
      %dma_start3A_81 = tpu.memref_slice %arg4[%add3A, %dma_start3A_80] : memref<32x32xf32, #tpu.memory_space<hbm>> -> memref<1x16xf32, #tpu.memory_space<hbm>>
      %dma_start3A_82 = tpu.memref_squeeze %dma_start3A_81 : memref<1x16xf32, #tpu.memory_space<hbm>> -> memref<16xf32, #tpu.memory_space<hbm>>
      tpu.enqueue_dma source(%arg7 : memref<16xf32, #tpu.memory_space<vmem>>) target(%dma_start3A_82 : memref<16xf32, #tpu.memory_space<hbm>>) target_semaphore(%run_scoped3A : memref<!tpu.dma_semaphore, #tpu.memory_space<semaphore_mem>>)
      %dma_wait3A = arith.constant 0 : i32
      %dma_wait3A_83 = tpu.memref_slice %arg4[%add3A, %dma_wait3A] : memref<32x32xf32, #tpu.memory_space<hbm>> -> memref<1x16xf32, #tpu.memory_space<hbm>>
      %dma_wait3A_84 = tpu.memref_squeeze %dma_wait3A_83 : memref<1x16xf32, #tpu.memory_space<hbm>> -> memref<16xf32, #tpu.memory_space<hbm>>
      %dma_wait3A_85 = arith.constant 0 : i32
      %dma_wait3A_86 = tpu.memref_slice %arg4[%add3A, %dma_wait3A_85] : memref<32x32xf32, #tpu.memory_space<hbm>> -> memref<1x16xf32, #tpu.memory_space<hbm>>
      %dma_wait3A_87 = tpu.memref_squeeze %dma_wait3A_86 : memref<1x16xf32, #tpu.memory_space<hbm>> -> memref<16xf32, #tpu.memory_space<hbm>>
      tpu.wait_dma2 semaphore(%run_scoped3A : memref<!tpu.dma_semaphore, #tpu.memory_space<semaphore_mem>>) src(%arg7 : memref<16xf32, #tpu.memory_space<vmem>>) dst(%dma_wait3A_87 : memref<16xf32, #tpu.memory_space<hbm>>)
      tpu.yield
    }) : () -> ()
    %swap3A_76 = arith.constant 0 : index
    %swap3A_77 = tpu.vector_load %arg7[%swap3A_76] {strides = array<i32>} : memref<16xf32, #tpu.memory_space<vmem>>, vector<16xf32>,
    tpu.vector_store %arg7[%swap3A_76], %scan3A_73#1 {strides = array<i32>} : memref<16xf32, #tpu.memory_space<vmem>>, vector<16xf32>,
    "tpu.region"() ({
      %run_scoped3A = tpu.sem_alloc : memref<!tpu.dma_semaphore, #tpu.memory_space<semaphore_mem>>
      %dma_start3A = arith.constant 16 : i32
      %dma_start3A_78 = tpu.memref_slice %arg4[%add3A, %dma_start3A] : memref<32x32xf32, #tpu.memory_space<hbm>> -> memref<1x16xf32, #tpu.memory_space<hbm>>
      %dma_start3A_79 = tpu.memref_squeeze %dma_start3A_78 : memref<1x16xf32, #tpu.memory_space<hbm>> -> memref<16xf32, #tpu.memory_space<hbm>>
      %dma_start3A_80 = arith.constant 16 : i32
      %dma_start3A_81 = tpu.memref_slice %arg4[%add3A, %dma_start3A_80] : memref<32x32xf32, #tpu.memory_space<hbm>> -> memref<1x16xf32, #tpu.memory_space<hbm>>
      %dma_start3A_82 = tpu.memref_squeeze %dma_start3A_81 : memref<1x16xf32, #tpu.memory_space<hbm>> -> memref<16xf32, #tpu.memory_space<hbm>>
      tpu.enqueue_dma source(%arg7 : memref<16xf32, #tpu.memory_space<vmem>>) target(%dma_start3A_82 : memref<16xf32, #tpu.memory_space<hbm>>) target_semaphore(%run_scoped3A : memref<!tpu.dma_semaphore, #tpu.memory_space<semaphore_mem>>)
      %dma_wait3A = arith.constant 16 : i32
      %dma_wait3A_83 = tpu.memref_slice %arg4[%add3A, %dma_wait3A] : memref<32x32xf32, #tpu.memory_space<hbm>> -> memref<1x16xf32, #tpu.memory_space<hbm>>
      %dma_wait3A_84 = tpu.memref_squeeze %dma_wait3A_83 : memref<1x16xf32, #tpu.memory_space<hbm>> -> memref<16xf32, #tpu.memory_space<hbm>>
      %dma_wait3A_85 = arith.constant 16 : i32
      %dma_wait3A_86 = tpu.memref_slice %arg4[%add3A, %dma_wait3A_85] : memref<32x32xf32, #tpu.memory_space<hbm>> -> memref<1x16xf32, #tpu.memory_space<hbm>>
      %dma_wait3A_87 = tpu.memref_squeeze %dma_wait3A_86 : memref<1x16xf32, #tpu.memory_space<hbm>> -> memref<16xf32, #tpu.memory_space<hbm>>
      tpu.wait_dma2 semaphore(%run_scoped3A : memref<!tpu.dma_semaphore, #tpu.memory_space<semaphore_mem>>) src(%arg7 : memref<16xf32, #tpu.memory_space<vmem>>) dst(%dma_wait3A_87 : memref<16xf32, #tpu.memory_space<hbm>>)
      tpu.yield
    }) : () -> ()
    return
  }
}

module attributes {stable_mosaic.version = 14 : i64} {
  func.func @_dense_body(%arg0: i32, %arg1: memref<512x2xf32, #tpu.memory_space<smem>>, %arg2: memref<1x28x28x95xf32, #tpu.memory_space<vmem>>, %arg3: memref<1x28x28x95xf32, #tpu.memory_space<vmem>>, %arg4: memref<1x1xf32, #tpu.memory_space<smem>>) attributes {dimension_semantics = [#tpu.dimension_semantics<arbitrary>], iteration_bounds = array<i64: 512>, scalar_prefetch = 0 : i64, scratch_operands = 0 : i64, tpu.core_type = #tpu.core_type<tc>, window_params = [{transform_indices = @transform_0, window_bounds = array<i64: 512, 2>}, {transform_indices = @transform_1, window_bounds = array<i64: 1, 28, 28, 95>}, {transform_indices = @transform_2, window_bounds = array<i64: 1, 28, 28, 95>}, {transform_indices = @transform_3, window_bounds = array<i64: 1, 1>}]} {
    %get3A = arith.constant 0 : index
    %get3A_0 = arith.constant 0 : index
    %get3A_1 = arith.constant 0 : index
    %get3A_2 = arith.constant 0 : index
    %get3A_3 = vector.load %arg2[%get3A, %get3A_0, %get3A_1, %get3A_2] : memref<1x28x28x95xf32, #tpu.memory_space<vmem>>, vector<1x28x28x95xf32>
    %get3A_4 = vector.shape_cast %get3A_3 : vector<1x28x28x95xf32> to vector<28x28x95xf32>
    %get3A_5 = arith.constant 0 : index
    %get3A_6 = arith.constant 0 : index
    %get3A_7 = arith.constant 0 : index
    %get3A_8 = arith.constant 0 : index
    %get3A_9 = vector.load %arg3[%get3A_5, %get3A_6, %get3A_7, %get3A_8] : memref<1x28x28x95xf32, #tpu.memory_space<vmem>>, vector<1x28x28x95xf32>
    %get3A_10 = vector.shape_cast %get3A_9 : vector<1x28x28x95xf32> to vector<28x28x95xf32>
    %slice3A = vector.extract_strided_slice %get3A_10 {offsets = [0, 0, 12], sizes = [28, 28, 3], strides = [1, 1, 1]} : vector<28x28x95xf32> to vector<28x28x3xf32>
    %slice3A_11 = vector.extract_strided_slice %get3A_4 {offsets = [0, 0, 12], sizes = [28, 28, 3], strides = [1, 1, 1]} : vector<28x28x95xf32> to vector<28x28x3xf32>
    %reduce_sum3A = arith.constant dense<0.000000e+00> : vector<28x28xf32>
    %reduce_sum3A_12 = vector.multi_reduction <add>, %slice3A, %reduce_sum3A [2] : vector<28x28x3xf32> to vector<28x28xf32>
    %eq3A = arith.constant 0.000000e+00 : f32
    %eq3A_13 = vector.broadcast %eq3A : f32 to vector<28x28xf32>
    %eq3A_14 = arith.cmpf oeq, %reduce_sum3A_12, %eq3A_13 : vector<28x28xf32>
    %broadcast_in_dim3A = vector.shape_cast %eq3A_14 : vector<28x28xi1> to vector<28x28x1xi1>
    %jit3A = arith.constant 0.000000e+00 : f32
    %broadcast_in_dim3A_15 = vector.shape_cast %broadcast_in_dim3A : vector<28x28x1xi1> to vector<28x28x1xi1>
    %broadcast_in_dim3A_16 = vector.broadcast %broadcast_in_dim3A_15 : vector<28x28x1xi1> to vector<28x28x3xi1>
    %broadcast_in_dim3A_17 = vector.broadcast %jit3A : f32 to vector<28x28x3xf32>
    %select_n3A = arith.select %broadcast_in_dim3A_16, %slice3A_11, %broadcast_in_dim3A_17 : vector<28x28x3xi1>, vector<28x28x3xf32>
    %integer_pow3A = arith.mulf %select_n3A, %select_n3A : vector<28x28x3xf32>
    %reduce_sum3A_18 = vector.shape_cast %integer_pow3A : vector<28x28x3xf32> to vector<1x28x28x3xf32>
    %reduce_sum3A_19 = arith.constant dense<0.000000e+00> : vector<1xf32>
    %reduce_sum3A_20 = vector.multi_reduction <add>, %reduce_sum3A_18, %reduce_sum3A_19 [1, 2, 3] : vector<1x28x28x3xf32> to vector<1xf32>
    %reduce_sum3A_21 = vector.shape_cast %reduce_sum3A_20 : vector<1xf32> to vector<1x1x1x1xf32>
    %reduce_sum3A_22 = vector.extract %reduce_sum3A_21[0, 0, 0, 0] : f32 from vector<1x1x1x1xf32>
    %mul3A = arith.constant 5.000000e-01 : f32
    %mul3A_23 = arith.mulf %mul3A, %reduce_sum3A_22 : f32
    %eq3A_24 = arith.constant 1.000000e+00 : f32
    %eq3A_25 = vector.broadcast %eq3A_24 : f32 to vector<28x28x3xf32>
    %eq3A_26 = arith.cmpf oeq, %slice3A, %eq3A_25 : vector<28x28x3xf32>
    %convert_element_type3A = arith.extui %eq3A_26 : vector<28x28x3xi1> to vector<28x28x3xi32>
    %convert_element_type3A_27 = arith.sitofp %convert_element_type3A : vector<28x28x3xi32> to vector<28x28x3xf32>
    %reduce_sum3A_28 = arith.constant dense<0.000000e+00> : vector<28x28xf32>
    %reduce_sum3A_29 = vector.multi_reduction <add>, %convert_element_type3A_27, %reduce_sum3A_28 [2] : vector<28x28x3xf32> to vector<28x28xf32>
    %gt3A = arith.constant 0.000000e+00 : f32
    %gt3A_30 = vector.broadcast %gt3A : f32 to vector<28x28xf32>
    %gt3A_31 = arith.cmpf ogt, %reduce_sum3A_29, %gt3A_30 : vector<28x28xf32>
    %get3A_32 = arith.index_cast %arg0 : i32 to index
    %get3A_33 = arith.constant 0 : index
    %get3A_34 = memref.load %arg1[%get3A_32, %get3A_33] : memref<512x2xf32, #tpu.memory_space<smem>>
    %get3A_35 = arith.index_cast %arg0 : i32 to index
    %get3A_36 = arith.constant 1 : index
    %get3A_37 = memref.load %arg1[%get3A_35, %get3A_36] : memref<512x2xf32, #tpu.memory_space<smem>>
    %div3A = arith.constant 2.800000e+01 : f32
    %div3A_38 = arith.divf %get3A_34, %div3A : f32
    %div3A_39 = arith.constant 2.800000e+01 : f32
    %div3A_40 = arith.divf %get3A_37, %div3A_39 : f32
    %iota3A = tpu.iota {dimensions = array<i32: 1>} : vector<28x28xi32>
    %convert_element_type3A_41 = arith.sitofp %iota3A : vector<28x28xi32> to vector<28x28xf32>
    %iota3A_42 = tpu.iota {dimensions = array<i32: 0>} : vector<28x28xi32>
    %convert_element_type3A_43 = arith.sitofp %iota3A_42 : vector<28x28xi32> to vector<28x28xf32>
    %mul3A_44 = vector.broadcast %div3A_40 : f32 to vector<28x28xf32>
    %mul3A_45 = arith.mulf %convert_element_type3A_41, %mul3A_44 : vector<28x28xf32>
    %mul3A_46 = vector.broadcast %div3A_38 : f32 to vector<28x28xf32>
    %mul3A_47 = arith.mulf %convert_element_type3A_43, %mul3A_46 : vector<28x28xf32>
    %slice3A_48 = vector.extract_strided_slice %get3A_10 {offsets = [0, 0, 0], sizes = [28, 28, 1], strides = [1, 1, 1]} : vector<28x28x95xf32> to vector<28x28x1xf32>
    %squeeze3A = vector.shape_cast %slice3A_48 : vector<28x28x1xf32> to vector<28x28xf32>
    %mul3A_49 = vector.broadcast %div3A_40 : f32 to vector<28x28xf32>
    %mul3A_50 = arith.mulf %squeeze3A, %mul3A_49 : vector<28x28xf32>
    %add3A = arith.addf %mul3A_50, %mul3A_45 : vector<28x28xf32>
    %slice3A_51 = vector.extract_strided_slice %get3A_10 {offsets = [0, 0, 1], sizes = [28, 28, 1], strides = [1, 1, 1]} : vector<28x28x95xf32> to vector<28x28x1xf32>
    %squeeze3A_52 = vector.shape_cast %slice3A_51 : vector<28x28x1xf32> to vector<28x28xf32>
    %mul3A_53 = vector.broadcast %div3A_38 : f32 to vector<28x28xf32>
    %mul3A_54 = arith.mulf %squeeze3A_52, %mul3A_53 : vector<28x28xf32>
    %add3A_55 = arith.addf %mul3A_54, %mul3A_47 : vector<28x28xf32>
    %slice3A_56 = vector.extract_strided_slice %get3A_10 {offsets = [0, 0, 6], sizes = [28, 28, 1], strides = [1, 1, 1]} : vector<28x28x95xf32> to vector<28x28x1xf32>
    %squeeze3A_57 = vector.shape_cast %slice3A_56 : vector<28x28x1xf32> to vector<28x28xf32>
    %mul3A_58 = vector.broadcast %get3A_37 : f32 to vector<28x28xf32>
    %mul3A_59 = arith.mulf %squeeze3A_57, %mul3A_58 : vector<28x28xf32>
    %slice3A_60 = vector.extract_strided_slice %get3A_10 {offsets = [0, 0, 7], sizes = [28, 28, 1], strides = [1, 1, 1]} : vector<28x28x95xf32> to vector<28x28x1xf32>
    %squeeze3A_61 = vector.shape_cast %slice3A_60 : vector<28x28x1xf32> to vector<28x28xf32>
    %mul3A_62 = vector.broadcast %get3A_34 : f32 to vector<28x28xf32>
    %mul3A_63 = arith.mulf %squeeze3A_61, %mul3A_62 : vector<28x28xf32>
    %div3A_64 = arith.constant 2.000000e+00 : f32
    %div3A_65 = vector.broadcast %div3A_64 : f32 to vector<28x28xf32>
    %div3A_66 = arith.divf %mul3A_59, %div3A_65 : vector<28x28xf32>
    %sub3A = arith.subf %add3A, %div3A_66 : vector<28x28xf32>
    %div3A_67 = arith.constant 2.000000e+00 : f32
    %div3A_68 = vector.broadcast %div3A_67 : f32 to vector<28x28xf32>
    %div3A_69 = arith.divf %mul3A_63, %div3A_68 : vector<28x28xf32>
    %sub3A_70 = arith.subf %add3A_55, %div3A_69 : vector<28x28xf32>
    %div3A_71 = arith.constant 2.000000e+00 : f32
    %div3A_72 = vector.broadcast %div3A_71 : f32 to vector<28x28xf32>
    %div3A_73 = arith.divf %mul3A_59, %div3A_72 : vector<28x28xf32>
    %add3A_74 = arith.addf %add3A, %div3A_73 : vector<28x28xf32>
    %div3A_75 = arith.constant 2.000000e+00 : f32
    %div3A_76 = vector.broadcast %div3A_75 : f32 to vector<28x28xf32>
    %div3A_77 = arith.divf %mul3A_63, %div3A_76 : vector<28x28xf32>
    %add3A_78 = arith.addf %add3A_55, %div3A_77 : vector<28x28xf32>
    %sub3A_79 = arith.subf %add3A_74, %sub3A : vector<28x28xf32>
    %sub3A_80 = arith.subf %add3A_78, %sub3A_70 : vector<28x28xf32>
    %mul3A_81 = arith.mulf %sub3A_79, %sub3A_80 : vector<28x28xf32>
    %broadcast_in_dim3A_82 = arith.constant 0 : i32
    %broadcast_in_dim3A_83 = vector.broadcast %broadcast_in_dim3A_82 : i32 to vector<28x28xi32>
    %broadcast_in_dim3A_84 = arith.constant 0xFF800000 : f32
    %broadcast_in_dim3A_85 = vector.broadcast %broadcast_in_dim3A_84 : f32 to vector<28x28xf32>
    %slice3A_86 = vector.extract_strided_slice %get3A_4 {offsets = [0, 0, 0], sizes = [28, 28, 1], strides = [1, 1, 1]} : vector<28x28x95xf32> to vector<28x28x1xf32>
    %squeeze3A_87 = vector.shape_cast %slice3A_86 : vector<28x28x1xf32> to vector<28x28xf32>
    %mul3A_88 = vector.broadcast %div3A_40 : f32 to vector<28x28xf32>
    %mul3A_89 = arith.mulf %squeeze3A_87, %mul3A_88 : vector<28x28xf32>
    %add3A_90 = arith.addf %mul3A_89, %mul3A_45 : vector<28x28xf32>
    %slice3A_91 = vector.extract_strided_slice %get3A_4 {offsets = [0, 0, 1], sizes = [28, 28, 1], strides = [1, 1, 1]} : vector<28x28x95xf32> to vector<28x28x1xf32>
    %squeeze3A_92 = vector.shape_cast %slice3A_91 : vector<28x28x1xf32> to vector<28x28xf32>
    %mul3A_93 = vector.broadcast %div3A_38 : f32 to vector<28x28xf32>
    %mul3A_94 = arith.mulf %squeeze3A_92, %mul3A_93 : vector<28x28xf32>
    %add3A_95 = arith.addf %mul3A_94, %mul3A_47 : vector<28x28xf32>
    %slice3A_96 = vector.extract_strided_slice %get3A_4 {offsets = [0, 0, 6], sizes = [28, 28, 1], strides = [1, 1, 1]} : vector<28x28x95xf32> to vector<28x28x1xf32>
    %squeeze3A_97 = vector.shape_cast %slice3A_96 : vector<28x28x1xf32> to vector<28x28xf32>
    %mul3A_98 = vector.broadcast %get3A_37 : f32 to vector<28x28xf32>
    %mul3A_99 = arith.mulf %squeeze3A_97, %mul3A_98 : vector<28x28xf32>
    %slice3A_100 = vector.extract_strided_slice %get3A_4 {offsets = [0, 0, 7], sizes = [28, 28, 1], strides = [1, 1, 1]} : vector<28x28x95xf32> to vector<28x28x1xf32>
    %squeeze3A_101 = vector.shape_cast %slice3A_100 : vector<28x28x1xf32> to vector<28x28xf32>
    %mul3A_102 = vector.broadcast %get3A_34 : f32 to vector<28x28xf32>
    %mul3A_103 = arith.mulf %squeeze3A_101, %mul3A_102 : vector<28x28xf32>
    %div3A_104 = arith.constant 2.000000e+00 : f32
    %div3A_105 = vector.broadcast %div3A_104 : f32 to vector<28x28xf32>
    %div3A_106 = arith.divf %mul3A_99, %div3A_105 : vector<28x28xf32>
    %sub3A_107 = arith.subf %add3A_90, %div3A_106 : vector<28x28xf32>
    %div3A_108 = arith.constant 2.000000e+00 : f32
    %div3A_109 = vector.broadcast %div3A_108 : f32 to vector<28x28xf32>
    %div3A_110 = arith.divf %mul3A_103, %div3A_109 : vector<28x28xf32>
    %sub3A_111 = arith.subf %add3A_95, %div3A_110 : vector<28x28xf32>
    %div3A_112 = arith.constant 2.000000e+00 : f32
    %div3A_113 = vector.broadcast %div3A_112 : f32 to vector<28x28xf32>
    %div3A_114 = arith.divf %mul3A_99, %div3A_113 : vector<28x28xf32>
    %add3A_115 = arith.addf %add3A_90, %div3A_114 : vector<28x28xf32>
    %div3A_116 = arith.constant 2.000000e+00 : f32
    %div3A_117 = vector.broadcast %div3A_116 : f32 to vector<28x28xf32>
    %div3A_118 = arith.divf %mul3A_103, %div3A_117 : vector<28x28xf32>
    %add3A_119 = arith.addf %add3A_95, %div3A_118 : vector<28x28xf32>
    %sub3A_120 = arith.subf %add3A_115, %sub3A_107 : vector<28x28xf32>
    %sub3A_121 = arith.subf %add3A_119, %sub3A_111 : vector<28x28xf32>
    %mul3A_122 = arith.mulf %sub3A_120, %sub3A_121 : vector<28x28xf32>
    %max3A = arith.maximumf %sub3A, %sub3A_107 : vector<28x28xf32>
    %max3A_123 = arith.maximumf %sub3A_70, %sub3A_111 : vector<28x28xf32>
    %min3A = arith.minimumf %add3A_74, %add3A_115 : vector<28x28xf32>
    %min3A_124 = arith.minimumf %add3A_78, %add3A_119 : vector<28x28xf32>
    %sub3A_125 = arith.subf %min3A, %max3A : vector<28x28xf32>
    %jit3A_126 = arith.constant 0.000000e+00 : f32
    %max3A_127 = vector.broadcast %jit3A_126 : f32 to vector<28x28xf32>
    %max3A_128 = arith.maximumf %max3A_127, %sub3A_125 : vector<28x28xf32>
    %sub3A_129 = arith.subf %min3A_124, %max3A_123 : vector<28x28xf32>
    %jit3A_130 = arith.constant 0.000000e+00 : f32
    %max3A_131 = vector.broadcast %jit3A_130 : f32 to vector<28x28xf32>
    %max3A_132 = arith.maximumf %max3A_131, %sub3A_129 : vector<28x28xf32>
    %mul3A_133 = arith.mulf %max3A_128, %max3A_132 : vector<28x28xf32>
    %add3A_134 = arith.addf %mul3A_81, %mul3A_122 : vector<28x28xf32>
    %sub3A_135 = arith.subf %add3A_134, %mul3A_133 : vector<28x28xf32>
    %jit3A_136 = arith.constant 1.000000e+00 : f32
    %broadcast_in_dim3A_137 = vector.broadcast %jit3A_136 : f32 to vector<28x28xf32>
    %select_n3A_138 = arith.select %gt3A_31, %sub3A_135, %broadcast_in_dim3A_137 : vector<28x28xi1>, vector<28x28xf32>
    %div3A_139 = arith.divf %mul3A_133, %select_n3A_138 : vector<28x28xf32>
    %gt3A_140 = arith.cmpf ogt, %div3A_139, %broadcast_in_dim3A_85 : vector<28x28xf32>
    %jit3A_141 = arith.constant 0 : i32
    %broadcast_in_dim3A_142 = vector.broadcast %jit3A_141 : i32 to vector<28x28xi32>
    %select_n3A_143 = arith.select %gt3A_140, %broadcast_in_dim3A_142, %broadcast_in_dim3A_83 : vector<28x28xi1>, vector<28x28xi32>
    %select_n3A_144 = arith.select %gt3A_140, %div3A_139, %broadcast_in_dim3A_85 : vector<28x28xi1>, vector<28x28xf32>
    %slice3A_145 = vector.extract_strided_slice %get3A_4 {offsets = [0, 0, 2], sizes = [28, 28, 1], strides = [1, 1, 1]} : vector<28x28x95xf32> to vector<28x28x1xf32>
    %squeeze3A_146 = vector.shape_cast %slice3A_145 : vector<28x28x1xf32> to vector<28x28xf32>
    %mul3A_147 = vector.broadcast %div3A_40 : f32 to vector<28x28xf32>
    %mul3A_148 = arith.mulf %squeeze3A_146, %mul3A_147 : vector<28x28xf32>
    %add3A_149 = arith.addf %mul3A_148, %mul3A_45 : vector<28x28xf32>
    %slice3A_150 = vector.extract_strided_slice %get3A_4 {offsets = [0, 0, 3], sizes = [28, 28, 1], strides = [1, 1, 1]} : vector<28x28x95xf32> to vector<28x28x1xf32>
    %squeeze3A_151 = vector.shape_cast %slice3A_150 : vector<28x28x1xf32> to vector<28x28xf32>
    %mul3A_152 = vector.broadcast %div3A_38 : f32 to vector<28x28xf32>
    %mul3A_153 = arith.mulf %squeeze3A_151, %mul3A_152 : vector<28x28xf32>
    %add3A_154 = arith.addf %mul3A_153, %mul3A_47 : vector<28x28xf32>
    %slice3A_155 = vector.extract_strided_slice %get3A_4 {offsets = [0, 0, 8], sizes = [28, 28, 1], strides = [1, 1, 1]} : vector<28x28x95xf32> to vector<28x28x1xf32>
    %squeeze3A_156 = vector.shape_cast %slice3A_155 : vector<28x28x1xf32> to vector<28x28xf32>
    %mul3A_157 = vector.broadcast %get3A_37 : f32 to vector<28x28xf32>
    %mul3A_158 = arith.mulf %squeeze3A_156, %mul3A_157 : vector<28x28xf32>
    %slice3A_159 = vector.extract_strided_slice %get3A_4 {offsets = [0, 0, 9], sizes = [28, 28, 1], strides = [1, 1, 1]} : vector<28x28x95xf32> to vector<28x28x1xf32>
    %squeeze3A_160 = vector.shape_cast %slice3A_159 : vector<28x28x1xf32> to vector<28x28xf32>
    %mul3A_161 = vector.broadcast %get3A_34 : f32 to vector<28x28xf32>
    %mul3A_162 = arith.mulf %squeeze3A_160, %mul3A_161 : vector<28x28xf32>
    %div3A_163 = arith.constant 2.000000e+00 : f32
    %div3A_164 = vector.broadcast %div3A_163 : f32 to vector<28x28xf32>
    %div3A_165 = arith.divf %mul3A_158, %div3A_164 : vector<28x28xf32>
    %sub3A_166 = arith.subf %add3A_149, %div3A_165 : vector<28x28xf32>
    %div3A_167 = arith.constant 2.000000e+00 : f32
    %div3A_168 = vector.broadcast %div3A_167 : f32 to vector<28x28xf32>
    %div3A_169 = arith.divf %mul3A_162, %div3A_168 : vector<28x28xf32>
    %sub3A_170 = arith.subf %add3A_154, %div3A_169 : vector<28x28xf32>
    %div3A_171 = arith.constant 2.000000e+00 : f32
    %div3A_172 = vector.broadcast %div3A_171 : f32 to vector<28x28xf32>
    %div3A_173 = arith.divf %mul3A_158, %div3A_172 : vector<28x28xf32>
    %add3A_174 = arith.addf %add3A_149, %div3A_173 : vector<28x28xf32>
    %div3A_175 = arith.constant 2.000000e+00 : f32
    %div3A_176 = vector.broadcast %div3A_175 : f32 to vector<28x28xf32>
    %div3A_177 = arith.divf %mul3A_162, %div3A_176 : vector<28x28xf32>
    %add3A_178 = arith.addf %add3A_154, %div3A_177 : vector<28x28xf32>
    %sub3A_179 = arith.subf %add3A_174, %sub3A_166 : vector<28x28xf32>
    %sub3A_180 = arith.subf %add3A_178, %sub3A_170 : vector<28x28xf32>
    %mul3A_181 = arith.mulf %sub3A_179, %sub3A_180 : vector<28x28xf32>
    %max3A_182 = arith.maximumf %sub3A, %sub3A_166 : vector<28x28xf32>
    %max3A_183 = arith.maximumf %sub3A_70, %sub3A_170 : vector<28x28xf32>
    %min3A_184 = arith.minimumf %add3A_74, %add3A_174 : vector<28x28xf32>
    %min3A_185 = arith.minimumf %add3A_78, %add3A_178 : vector<28x28xf32>
    %sub3A_186 = arith.subf %min3A_184, %max3A_182 : vector<28x28xf32>
    %jit3A_187 = arith.constant 0.000000e+00 : f32
    %max3A_188 = vector.broadcast %jit3A_187 : f32 to vector<28x28xf32>
    %max3A_189 = arith.maximumf %max3A_188, %sub3A_186 : vector<28x28xf32>
    %sub3A_190 = arith.subf %min3A_185, %max3A_183 : vector<28x28xf32>
    %jit3A_191 = arith.constant 0.000000e+00 : f32
    %max3A_192 = vector.broadcast %jit3A_191 : f32 to vector<28x28xf32>
    %max3A_193 = arith.maximumf %max3A_192, %sub3A_190 : vector<28x28xf32>
    %mul3A_194 = arith.mulf %max3A_189, %max3A_193 : vector<28x28xf32>
    %add3A_195 = arith.addf %mul3A_81, %mul3A_181 : vector<28x28xf32>
    %sub3A_196 = arith.subf %add3A_195, %mul3A_194 : vector<28x28xf32>
    %jit3A_197 = arith.constant 1.000000e+00 : f32
    %broadcast_in_dim3A_198 = vector.broadcast %jit3A_197 : f32 to vector<28x28xf32>
    %select_n3A_199 = arith.select %gt3A_31, %sub3A_196, %broadcast_in_dim3A_198 : vector<28x28xi1>, vector<28x28xf32>
    %div3A_200 = arith.divf %mul3A_194, %select_n3A_199 : vector<28x28xf32>
    %gt3A_201 = arith.cmpf ogt, %div3A_200, %select_n3A_144 : vector<28x28xf32>
    %jit3A_202 = arith.constant 1 : i32
    %broadcast_in_dim3A_203 = vector.broadcast %jit3A_202 : i32 to vector<28x28xi32>
    %select_n3A_204 = arith.select %gt3A_201, %broadcast_in_dim3A_203, %select_n3A_143 : vector<28x28xi1>, vector<28x28xi32>
    %select_n3A_205 = arith.select %gt3A_201, %div3A_200, %select_n3A_144 : vector<28x28xi1>, vector<28x28xf32>
    %slice3A_206 = vector.extract_strided_slice %get3A_4 {offsets = [0, 0, 4], sizes = [28, 28, 1], strides = [1, 1, 1]} : vector<28x28x95xf32> to vector<28x28x1xf32>
    %squeeze3A_207 = vector.shape_cast %slice3A_206 : vector<28x28x1xf32> to vector<28x28xf32>
    %mul3A_208 = vector.broadcast %div3A_40 : f32 to vector<28x28xf32>
    %mul3A_209 = arith.mulf %squeeze3A_207, %mul3A_208 : vector<28x28xf32>
    %add3A_210 = arith.addf %mul3A_209, %mul3A_45 : vector<28x28xf32>
    %slice3A_211 = vector.extract_strided_slice %get3A_4 {offsets = [0, 0, 5], sizes = [28, 28, 1], strides = [1, 1, 1]} : vector<28x28x95xf32> to vector<28x28x1xf32>
    %squeeze3A_212 = vector.shape_cast %slice3A_211 : vector<28x28x1xf32> to vector<28x28xf32>
    %mul3A_213 = vector.broadcast %div3A_38 : f32 to vector<28x28xf32>
    %mul3A_214 = arith.mulf %squeeze3A_212, %mul3A_213 : vector<28x28xf32>
    %add3A_215 = arith.addf %mul3A_214, %mul3A_47 : vector<28x28xf32>
    %slice3A_216 = vector.extract_strided_slice %get3A_4 {offsets = [0, 0, 10], sizes = [28, 28, 1], strides = [1, 1, 1]} : vector<28x28x95xf32> to vector<28x28x1xf32>
    %squeeze3A_217 = vector.shape_cast %slice3A_216 : vector<28x28x1xf32> to vector<28x28xf32>
    %mul3A_218 = vector.broadcast %get3A_37 : f32 to vector<28x28xf32>
    %mul3A_219 = arith.mulf %squeeze3A_217, %mul3A_218 : vector<28x28xf32>
    %slice3A_220 = vector.extract_strided_slice %get3A_4 {offsets = [0, 0, 11], sizes = [28, 28, 1], strides = [1, 1, 1]} : vector<28x28x95xf32> to vector<28x28x1xf32>
    %squeeze3A_221 = vector.shape_cast %slice3A_220 : vector<28x28x1xf32> to vector<28x28xf32>
    %mul3A_222 = vector.broadcast %get3A_34 : f32 to vector<28x28xf32>
    %mul3A_223 = arith.mulf %squeeze3A_221, %mul3A_222 : vector<28x28xf32>
    %div3A_224 = arith.constant 2.000000e+00 : f32
    %div3A_225 = vector.broadcast %div3A_224 : f32 to vector<28x28xf32>
    %div3A_226 = arith.divf %mul3A_219, %div3A_225 : vector<28x28xf32>
    %sub3A_227 = arith.subf %add3A_210, %div3A_226 : vector<28x28xf32>
    %div3A_228 = arith.constant 2.000000e+00 : f32
    %div3A_229 = vector.broadcast %div3A_228 : f32 to vector<28x28xf32>
    %div3A_230 = arith.divf %mul3A_223, %div3A_229 : vector<28x28xf32>
    %sub3A_231 = arith.subf %add3A_215, %div3A_230 : vector<28x28xf32>
    %div3A_232 = arith.constant 2.000000e+00 : f32
    %div3A_233 = vector.broadcast %div3A_232 : f32 to vector<28x28xf32>
    %div3A_234 = arith.divf %mul3A_219, %div3A_233 : vector<28x28xf32>
    %add3A_235 = arith.addf %add3A_210, %div3A_234 : vector<28x28xf32>
    %div3A_236 = arith.constant 2.000000e+00 : f32
    %div3A_237 = vector.broadcast %div3A_236 : f32 to vector<28x28xf32>
    %div3A_238 = arith.divf %mul3A_223, %div3A_237 : vector<28x28xf32>
    %add3A_239 = arith.addf %add3A_215, %div3A_238 : vector<28x28xf32>
    %sub3A_240 = arith.subf %add3A_235, %sub3A_227 : vector<28x28xf32>
    %sub3A_241 = arith.subf %add3A_239, %sub3A_231 : vector<28x28xf32>
    %mul3A_242 = arith.mulf %sub3A_240, %sub3A_241 : vector<28x28xf32>
    %max3A_243 = arith.maximumf %sub3A, %sub3A_227 : vector<28x28xf32>
    %max3A_244 = arith.maximumf %sub3A_70, %sub3A_231 : vector<28x28xf32>
    %min3A_245 = arith.minimumf %add3A_74, %add3A_235 : vector<28x28xf32>
    %min3A_246 = arith.minimumf %add3A_78, %add3A_239 : vector<28x28xf32>
    %sub3A_247 = arith.subf %min3A_245, %max3A_243 : vector<28x28xf32>
    %jit3A_248 = arith.constant 0.000000e+00 : f32
    %max3A_249 = vector.broadcast %jit3A_248 : f32 to vector<28x28xf32>
    %max3A_250 = arith.maximumf %max3A_249, %sub3A_247 : vector<28x28xf32>
    %sub3A_251 = arith.subf %min3A_246, %max3A_244 : vector<28x28xf32>
    %jit3A_252 = arith.constant 0.000000e+00 : f32
    %max3A_253 = vector.broadcast %jit3A_252 : f32 to vector<28x28xf32>
    %max3A_254 = arith.maximumf %max3A_253, %sub3A_251 : vector<28x28xf32>
    %mul3A_255 = arith.mulf %max3A_250, %max3A_254 : vector<28x28xf32>
    %add3A_256 = arith.addf %mul3A_81, %mul3A_242 : vector<28x28xf32>
    %sub3A_257 = arith.subf %add3A_256, %mul3A_255 : vector<28x28xf32>
    %jit3A_258 = arith.constant 1.000000e+00 : f32
    %broadcast_in_dim3A_259 = vector.broadcast %jit3A_258 : f32 to vector<28x28xf32>
    %select_n3A_260 = arith.select %gt3A_31, %sub3A_257, %broadcast_in_dim3A_259 : vector<28x28xi1>, vector<28x28xf32>
    %div3A_261 = arith.divf %mul3A_255, %select_n3A_260 : vector<28x28xf32>
    %gt3A_262 = arith.cmpf ogt, %div3A_261, %select_n3A_205 : vector<28x28xf32>
    %jit3A_263 = arith.constant 2 : i32
    %broadcast_in_dim3A_264 = vector.broadcast %jit3A_263 : i32 to vector<28x28xi32>
    %select_n3A_265 = arith.select %gt3A_262, %broadcast_in_dim3A_264, %select_n3A_204 : vector<28x28xi1>, vector<28x28xi32>
    %select_n3A_266 = arith.select %gt3A_262, %div3A_261, %select_n3A_205 : vector<28x28xi1>, vector<28x28xf32>
    %broadcast_in_dim3A_267 = arith.constant 0.000000e+00 : f32
    %broadcast_in_dim3A_268 = vector.broadcast %broadcast_in_dim3A_267 : f32 to vector<28x28xf32>
    %broadcast_in_dim3A_269 = arith.constant 0.000000e+00 : f32
    %broadcast_in_dim3A_270 = vector.broadcast %broadcast_in_dim3A_269 : f32 to vector<28x28xf32>
    %broadcast_in_dim3A_271 = arith.constant 0.000000e+00 : f32
    %broadcast_in_dim3A_272 = vector.broadcast %broadcast_in_dim3A_271 : f32 to vector<28x28xf32>
    %broadcast_in_dim3A_273 = arith.constant 0.000000e+00 : f32
    %broadcast_in_dim3A_274 = vector.broadcast %broadcast_in_dim3A_273 : f32 to vector<28x28xf32>
    %broadcast_in_dim3A_275 = arith.constant 0.000000e+00 : f32
    %broadcast_in_dim3A_276 = vector.broadcast %broadcast_in_dim3A_275 : f32 to vector<28x28xf32>
    %broadcast_in_dim3A_277 = arith.constant 0.000000e+00 : f32
    %broadcast_in_dim3A_278 = vector.broadcast %broadcast_in_dim3A_277 : f32 to vector<28x28xf32>
    %eq3A_279 = arith.constant 0 : i32
    %eq3A_280 = vector.broadcast %eq3A_279 : i32 to vector<28x28xi32>
    %eq3A_281 = arith.cmpi eq, %select_n3A_265, %eq3A_280 : vector<28x28xi32>
    %slice3A_282 = vector.extract_strided_slice %get3A_4 {offsets = [0, 0, 0], sizes = [28, 28, 1], strides = [1, 1, 1]} : vector<28x28x95xf32> to vector<28x28x1xf32>
    %squeeze3A_283 = vector.shape_cast %slice3A_282 : vector<28x28x1xf32> to vector<28x28xf32>
    %select_n3A_284 = arith.select %eq3A_281, %squeeze3A_283, %broadcast_in_dim3A_268 : vector<28x28xi1>, vector<28x28xf32>
    %slice3A_285 = vector.extract_strided_slice %get3A_4 {offsets = [0, 0, 1], sizes = [28, 28, 1], strides = [1, 1, 1]} : vector<28x28x95xf32> to vector<28x28x1xf32>
    %squeeze3A_286 = vector.shape_cast %slice3A_285 : vector<28x28x1xf32> to vector<28x28xf32>
    %select_n3A_287 = arith.select %eq3A_281, %squeeze3A_286, %broadcast_in_dim3A_270 : vector<28x28xi1>, vector<28x28xf32>
    %slice3A_288 = vector.extract_strided_slice %get3A_4 {offsets = [0, 0, 6], sizes = [28, 28, 1], strides = [1, 1, 1]} : vector<28x28x95xf32> to vector<28x28x1xf32>
    %squeeze3A_289 = vector.shape_cast %slice3A_288 : vector<28x28x1xf32> to vector<28x28xf32>
    %select_n3A_290 = arith.select %eq3A_281, %squeeze3A_289, %broadcast_in_dim3A_272 : vector<28x28xi1>, vector<28x28xf32>
    %slice3A_291 = vector.extract_strided_slice %get3A_4 {offsets = [0, 0, 7], sizes = [28, 28, 1], strides = [1, 1, 1]} : vector<28x28x95xf32> to vector<28x28x1xf32>
    %squeeze3A_292 = vector.shape_cast %slice3A_291 : vector<28x28x1xf32> to vector<28x28xf32>
    %select_n3A_293 = arith.select %eq3A_281, %squeeze3A_292, %broadcast_in_dim3A_274 : vector<28x28xi1>, vector<28x28xf32>
    %slice3A_294 = vector.extract_strided_slice %get3A_4 {offsets = [0, 0, 12], sizes = [28, 28, 1], strides = [1, 1, 1]} : vector<28x28x95xf32> to vector<28x28x1xf32>
    %squeeze3A_295 = vector.shape_cast %slice3A_294 : vector<28x28x1xf32> to vector<28x28xf32>
    %select_n3A_296 = arith.select %eq3A_281, %squeeze3A_295, %broadcast_in_dim3A_276 : vector<28x28xi1>, vector<28x28xf32>
    %jit3A_297 = arith.constant 0.000000e+00 : f32
    %broadcast_in_dim3A_298 = vector.broadcast %jit3A_297 : f32 to vector<28x28xf32>
    %select_n3A_299 = arith.select %eq3A_281, %broadcast_in_dim3A_298, %squeeze3A_295 : vector<28x28xi1>, vector<28x28xf32>
    %integer_pow3A_300 = arith.mulf %select_n3A_299, %select_n3A_299 : vector<28x28xf32>
    %add3A_301 = arith.addf %broadcast_in_dim3A_278, %integer_pow3A_300 : vector<28x28xf32>
    %eq3A_302 = arith.constant 1 : i32
    %eq3A_303 = vector.broadcast %eq3A_302 : i32 to vector<28x28xi32>
    %eq3A_304 = arith.cmpi eq, %select_n3A_265, %eq3A_303 : vector<28x28xi32>
    %slice3A_305 = vector.extract_strided_slice %get3A_4 {offsets = [0, 0, 2], sizes = [28, 28, 1], strides = [1, 1, 1]} : vector<28x28x95xf32> to vector<28x28x1xf32>
    %squeeze3A_306 = vector.shape_cast %slice3A_305 : vector<28x28x1xf32> to vector<28x28xf32>
    %select_n3A_307 = arith.select %eq3A_304, %squeeze3A_306, %select_n3A_284 : vector<28x28xi1>, vector<28x28xf32>
    %slice3A_308 = vector.extract_strided_slice %get3A_4 {offsets = [0, 0, 3], sizes = [28, 28, 1], strides = [1, 1, 1]} : vector<28x28x95xf32> to vector<28x28x1xf32>
    %squeeze3A_309 = vector.shape_cast %slice3A_308 : vector<28x28x1xf32> to vector<28x28xf32>
    %select_n3A_310 = arith.select %eq3A_304, %squeeze3A_309, %select_n3A_287 : vector<28x28xi1>, vector<28x28xf32>
    %slice3A_311 = vector.extract_strided_slice %get3A_4 {offsets = [0, 0, 8], sizes = [28, 28, 1], strides = [1, 1, 1]} : vector<28x28x95xf32> to vector<28x28x1xf32>
    %squeeze3A_312 = vector.shape_cast %slice3A_311 : vector<28x28x1xf32> to vector<28x28xf32>
    %select_n3A_313 = arith.select %eq3A_304, %squeeze3A_312, %select_n3A_290 : vector<28x28xi1>, vector<28x28xf32>
    %slice3A_314 = vector.extract_strided_slice %get3A_4 {offsets = [0, 0, 9], sizes = [28, 28, 1], strides = [1, 1, 1]} : vector<28x28x95xf32> to vector<28x28x1xf32>
    %squeeze3A_315 = vector.shape_cast %slice3A_314 : vector<28x28x1xf32> to vector<28x28xf32>
    %select_n3A_316 = arith.select %eq3A_304, %squeeze3A_315, %select_n3A_293 : vector<28x28xi1>, vector<28x28xf32>
    %slice3A_317 = vector.extract_strided_slice %get3A_4 {offsets = [0, 0, 13], sizes = [28, 28, 1], strides = [1, 1, 1]} : vector<28x28x95xf32> to vector<28x28x1xf32>
    %squeeze3A_318 = vector.shape_cast %slice3A_317 : vector<28x28x1xf32> to vector<28x28xf32>
    %select_n3A_319 = arith.select %eq3A_304, %squeeze3A_318, %select_n3A_296 : vector<28x28xi1>, vector<28x28xf32>
    %jit3A_320 = arith.constant 0.000000e+00 : f32
    %broadcast_in_dim3A_321 = vector.broadcast %jit3A_320 : f32 to vector<28x28xf32>
    %select_n3A_322 = arith.select %eq3A_304, %broadcast_in_dim3A_321, %squeeze3A_318 : vector<28x28xi1>, vector<28x28xf32>
    %integer_pow3A_323 = arith.mulf %select_n3A_322, %select_n3A_322 : vector<28x28xf32>
    %add3A_324 = arith.addf %add3A_301, %integer_pow3A_323 : vector<28x28xf32>
    %eq3A_325 = arith.constant 2 : i32
    %eq3A_326 = vector.broadcast %eq3A_325 : i32 to vector<28x28xi32>
    %eq3A_327 = arith.cmpi eq, %select_n3A_265, %eq3A_326 : vector<28x28xi32>
    %slice3A_328 = vector.extract_strided_slice %get3A_4 {offsets = [0, 0, 4], sizes = [28, 28, 1], strides = [1, 1, 1]} : vector<28x28x95xf32> to vector<28x28x1xf32>
    %squeeze3A_329 = vector.shape_cast %slice3A_328 : vector<28x28x1xf32> to vector<28x28xf32>
    %select_n3A_330 = arith.select %eq3A_327, %squeeze3A_329, %select_n3A_307 : vector<28x28xi1>, vector<28x28xf32>
    %slice3A_331 = vector.extract_strided_slice %get3A_4 {offsets = [0, 0, 5], sizes = [28, 28, 1], strides = [1, 1, 1]} : vector<28x28x95xf32> to vector<28x28x1xf32>
    %squeeze3A_332 = vector.shape_cast %slice3A_331 : vector<28x28x1xf32> to vector<28x28xf32>
    %select_n3A_333 = arith.select %eq3A_327, %squeeze3A_332, %select_n3A_310 : vector<28x28xi1>, vector<28x28xf32>
    %slice3A_334 = vector.extract_strided_slice %get3A_4 {offsets = [0, 0, 10], sizes = [28, 28, 1], strides = [1, 1, 1]} : vector<28x28x95xf32> to vector<28x28x1xf32>
    %squeeze3A_335 = vector.shape_cast %slice3A_334 : vector<28x28x1xf32> to vector<28x28xf32>
    %select_n3A_336 = arith.select %eq3A_327, %squeeze3A_335, %select_n3A_313 : vector<28x28xi1>, vector<28x28xf32>
    %slice3A_337 = vector.extract_strided_slice %get3A_4 {offsets = [0, 0, 11], sizes = [28, 28, 1], strides = [1, 1, 1]} : vector<28x28x95xf32> to vector<28x28x1xf32>
    %squeeze3A_338 = vector.shape_cast %slice3A_337 : vector<28x28x1xf32> to vector<28x28xf32>
    %select_n3A_339 = arith.select %eq3A_327, %squeeze3A_338, %select_n3A_316 : vector<28x28xi1>, vector<28x28xf32>
    %slice3A_340 = vector.extract_strided_slice %get3A_4 {offsets = [0, 0, 14], sizes = [28, 28, 1], strides = [1, 1, 1]} : vector<28x28x95xf32> to vector<28x28x1xf32>
    %squeeze3A_341 = vector.shape_cast %slice3A_340 : vector<28x28x1xf32> to vector<28x28xf32>
    %select_n3A_342 = arith.select %eq3A_327, %squeeze3A_341, %select_n3A_319 : vector<28x28xi1>, vector<28x28xf32>
    %jit3A_343 = arith.constant 0.000000e+00 : f32
    %broadcast_in_dim3A_344 = vector.broadcast %jit3A_343 : f32 to vector<28x28xf32>
    %select_n3A_345 = arith.select %eq3A_327, %broadcast_in_dim3A_344, %squeeze3A_341 : vector<28x28xi1>, vector<28x28xf32>
    %integer_pow3A_346 = arith.mulf %select_n3A_345, %select_n3A_345 : vector<28x28xf32>
    %add3A_347 = arith.addf %add3A_324, %integer_pow3A_346 : vector<28x28xf32>
    %slice3A_348 = vector.extract_strided_slice %get3A_10 {offsets = [0, 0, 0], sizes = [28, 28, 1], strides = [1, 1, 1]} : vector<28x28x95xf32> to vector<28x28x1xf32>
    %squeeze3A_349 = vector.shape_cast %slice3A_348 : vector<28x28x1xf32> to vector<28x28xf32>
    %slice3A_350 = vector.extract_strided_slice %get3A_10 {offsets = [0, 0, 1], sizes = [28, 28, 1], strides = [1, 1, 1]} : vector<28x28x95xf32> to vector<28x28x1xf32>
    %squeeze3A_351 = vector.shape_cast %slice3A_350 : vector<28x28x1xf32> to vector<28x28xf32>
    %slice3A_352 = vector.extract_strided_slice %get3A_10 {offsets = [0, 0, 6], sizes = [28, 28, 1], strides = [1, 1, 1]} : vector<28x28x95xf32> to vector<28x28x1xf32>
    %squeeze3A_353 = vector.shape_cast %slice3A_352 : vector<28x28x1xf32> to vector<28x28xf32>
    %slice3A_354 = vector.extract_strided_slice %get3A_10 {offsets = [0, 0, 7], sizes = [28, 28, 1], strides = [1, 1, 1]} : vector<28x28x95xf32> to vector<28x28x1xf32>
    %squeeze3A_355 = vector.shape_cast %slice3A_354 : vector<28x28x1xf32> to vector<28x28xf32>
    %sub3A_356 = arith.subf %select_n3A_330, %squeeze3A_349 : vector<28x28xf32>
    %integer_pow3A_357 = arith.mulf %sub3A_356, %sub3A_356 : vector<28x28xf32>
    %sub3A_358 = arith.subf %select_n3A_333, %squeeze3A_351 : vector<28x28xf32>
    %integer_pow3A_359 = arith.mulf %sub3A_358, %sub3A_358 : vector<28x28xf32>
    %add3A_360 = arith.addf %integer_pow3A_357, %integer_pow3A_359 : vector<28x28xf32>
    %jit3A_361 = arith.constant 0.000000e+00 : f32
    %max3A_362 = vector.broadcast %jit3A_361 : f32 to vector<28x28xf32>
    %max3A_363 = arith.maximumf %max3A_362, %select_n3A_336 : vector<28x28xf32>
    %sqrt3A = math.sqrt %max3A_363 : vector<28x28xf32>
    %jit3A_364 = arith.constant 0.000000e+00 : f32
    %max3A_365 = vector.broadcast %jit3A_364 : f32 to vector<28x28xf32>
    %max3A_366 = arith.maximumf %max3A_365, %squeeze3A_353 : vector<28x28xf32>
    %sqrt3A_367 = math.sqrt %max3A_366 : vector<28x28xf32>
    %sub3A_368 = arith.subf %sqrt3A, %sqrt3A_367 : vector<28x28xf32>
    %integer_pow3A_369 = arith.mulf %sub3A_368, %sub3A_368 : vector<28x28xf32>
    %add3A_370 = arith.addf %add3A_360, %integer_pow3A_369 : vector<28x28xf32>
    %jit3A_371 = arith.constant 0.000000e+00 : f32
    %max3A_372 = vector.broadcast %jit3A_371 : f32 to vector<28x28xf32>
    %max3A_373 = arith.maximumf %max3A_372, %select_n3A_339 : vector<28x28xf32>
    %sqrt3A_374 = math.sqrt %max3A_373 : vector<28x28xf32>
    %jit3A_375 = arith.constant 0.000000e+00 : f32
    %max3A_376 = vector.broadcast %jit3A_375 : f32 to vector<28x28xf32>
    %max3A_377 = arith.maximumf %max3A_376, %squeeze3A_355 : vector<28x28xf32>
    %sqrt3A_378 = math.sqrt %max3A_377 : vector<28x28xf32>
    %sub3A_379 = arith.subf %sqrt3A_374, %sqrt3A_378 : vector<28x28xf32>
    %integer_pow3A_380 = arith.mulf %sub3A_379, %sub3A_379 : vector<28x28xf32>
    %add3A_381 = arith.addf %add3A_370, %integer_pow3A_380 : vector<28x28xf32>
    %sub3A_382 = arith.subf %select_n3A_342, %select_n3A_266 : vector<28x28xf32>
    %integer_pow3A_383 = arith.mulf %sub3A_382, %sub3A_382 : vector<28x28xf32>
    %slice3A_384 = vector.extract_strided_slice %get3A_4 {offsets = [0, 0, 15], sizes = [28, 28, 80], strides = [1, 1, 1]} : vector<28x28x95xf32> to vector<28x28x80xf32>
    %slice3A_385 = vector.extract_strided_slice %get3A_10 {offsets = [0, 0, 15], sizes = [28, 28, 80], strides = [1, 1, 1]} : vector<28x28x95xf32> to vector<28x28x80xf32>
    %sub3A_386 = arith.subf %slice3A_384, %slice3A_385 : vector<28x28x80xf32>
    %integer_pow3A_387 = arith.mulf %sub3A_386, %sub3A_386 : vector<28x28x80xf32>
    %reduce_sum3A_388 = arith.constant dense<0.000000e+00> : vector<28x28xf32>
    %reduce_sum3A_389 = vector.multi_reduction <add>, %integer_pow3A_387, %reduce_sum3A_388 [2] : vector<28x28x80xf32> to vector<28x28xf32>
    %mul3A_390 = arith.constant 5.000000e+00 : f32
    %mul3A_391 = vector.broadcast %mul3A_390 : f32 to vector<28x28xf32>
    %mul3A_392 = arith.mulf %mul3A_391, %add3A_381 : vector<28x28xf32>
    %add3A_393 = arith.addf %mul3A_392, %integer_pow3A_383 : vector<28x28xf32>
    %mul3A_394 = arith.constant 5.000000e-01 : f32
    %mul3A_395 = vector.broadcast %mul3A_394 : f32 to vector<28x28xf32>
    %mul3A_396 = arith.mulf %mul3A_395, %add3A_347 : vector<28x28xf32>
    %add3A_397 = arith.addf %add3A_393, %mul3A_396 : vector<28x28xf32>
    %add3A_398 = arith.addf %add3A_397, %reduce_sum3A_389 : vector<28x28xf32>
    %mul3A_399 = arith.mulf %reduce_sum3A_29, %add3A_398 : vector<28x28xf32>
    %jit3A_400 = arith.constant 0.000000e+00 : f32
    %broadcast_in_dim3A_401 = vector.broadcast %jit3A_400 : f32 to vector<28x28xf32>
    %select_n3A_402 = arith.select %gt3A_31, %mul3A_399, %broadcast_in_dim3A_401 : vector<28x28xi1>, vector<28x28xf32>
    %reduce_sum3A_403 = vector.shape_cast %select_n3A_402 : vector<28x28xf32> to vector<1x28x28xf32>
    %reduce_sum3A_404 = arith.constant dense<0.000000e+00> : vector<1xf32>
    %reduce_sum3A_405 = vector.multi_reduction <add>, %reduce_sum3A_403, %reduce_sum3A_404 [1, 2] : vector<1x28x28xf32> to vector<1xf32>
    %reduce_sum3A_406 = vector.shape_cast %reduce_sum3A_405 : vector<1xf32> to vector<1x1x1xf32>
    %reduce_sum3A_407 = vector.extract %reduce_sum3A_406[0, 0, 0] : f32 from vector<1x1x1xf32>
    %add3A_408 = arith.addf %mul3A_23, %reduce_sum3A_407 : f32
    %eq3A_409 = arith.constant 0 : i32
    %eq3A_410 = arith.cmpi eq, %arg0, %eq3A_409 : i32
    %convert_element_type3A_411 = arith.extui %eq3A_410 : i1 to i32
    %cond3A = arith.constant 0 : i32
    %cond3A_412 = arith.cmpi ne, %convert_element_type3A_411, %cond3A : i32
    scf.if %cond3A_412 {
      %swap3A_419 = arith.constant 0.000000e+00 : f32
      %swap3A_420 = arith.constant 0 : index
      %swap3A_421 = arith.constant 0 : index
      %swap3A_422 = memref.load %arg4[%swap3A_420, %swap3A_421] : memref<1x1xf32, #tpu.memory_space<smem>>
      memref.store %swap3A_419, %arg4[%swap3A_420, %swap3A_421] : memref<1x1xf32, #tpu.memory_space<smem>>
    } else {
    }
    %get3A_413 = arith.constant 0 : index
    %get3A_414 = arith.constant 0 : index
    %get3A_415 = memref.load %arg4[%get3A_413, %get3A_414] : memref<1x1xf32, #tpu.memory_space<smem>>
    %add3A_416 = arith.addf %get3A_415, %add3A_408 : f32
    %swap3A = arith.constant 0 : index
    %swap3A_417 = arith.constant 0 : index
    %swap3A_418 = memref.load %arg4[%swap3A, %swap3A_417] : memref<1x1xf32, #tpu.memory_space<smem>>
    memref.store %add3A_416, %arg4[%swap3A, %swap3A_417] : memref<1x1xf32, #tpu.memory_space<smem>>
    return
  }
  func.func @transform_0(%arg0: i32) -> (i32, i32) {
    %c0_i32 = arith.constant 0 : i32
    %c0_i32_0 = arith.constant 0 : i32
    %c0_i32_1 = arith.constant 0 : i32
    return %c0_i32, %c0_i32_0 : i32, i32
  }
  func.func @transform_1(%arg0: i32) -> (i32, i32, i32, i32) {
    %c0_i32 = arith.constant 0 : i32
    %c0_i32_0 = arith.constant 0 : i32
    %c0_i32_1 = arith.constant 0 : i32
    %c0_i32_2 = arith.constant 0 : i32
    return %arg0, %c0_i32, %c0_i32_0, %c0_i32_1 : i32, i32, i32, i32
  }
  func.func @transform_2(%arg0: i32) -> (i32, i32, i32, i32) {
    %c0_i32 = arith.constant 0 : i32
    %c0_i32_0 = arith.constant 0 : i32
    %c0_i32_1 = arith.constant 0 : i32
    %c0_i32_2 = arith.constant 0 : i32
    return %arg0, %c0_i32, %c0_i32_0, %c0_i32_1 : i32, i32, i32, i32
  }
  func.func @transform_3(%arg0: i32) -> (i32, i32) {
    %c0_i32 = arith.constant 0 : i32
    %c0_i32_0 = arith.constant 0 : i32
    %c0_i32_1 = arith.constant 0 : i32
    return %c0_i32, %c0_i32_0 : i32, i32
  }
}

</mosaic_0001>

<sc_bundles>
// kernel: kernel.3.cloned.1.call-start
scs
__scs_entry_jumppad:
0x0: {  	(pc) =	sbr.rel $0x88, $3  }
0x1: {  	(tag) =	ssettag $0x0;
	lr =	simm.s32 $0x1  }
0x2: {  	[smem:$0x3F9E] =	sst lr;
	_ =	strace $0xD0000000  }
0x3: {  	_ = 	snop  }
0x4: {  	_ = 	snop  }
0x5: {  	_ = 	snop  }
0x6: {  	_ = 	snop  }
0x7: {  	_ = 	snop  }
__scs_overlays_trampoline_lowered:
0x8: {  	[smem:$0x3FAD] =	sst s0  }
0x9: {  	[smem:$0x3FAE] =	sst s1  }
0xa: {  	[smem:$0x3FAF] =	sst s2  }
0xb: {  	[smem:$0x3FB0] =	sst s3  }
0xc: {  	[smem:$0x3FB1] =	sst s4  }
0xd: {  	[smem:$0x3FB2] =	sst s5  }
0xe: {  	[smem:$0x3FB3] =	sst s6  }
0xf: {  	[smem:$0x3FB4] =	sst s7  }
0x10: {  	[smem:$0x3FB5] =	sst s8  }
0x11: {  	[smem:$0x3FB6] =	sst s9;
	s0 =	simm.s32 @!p0 $0x0  }
0x12: {  	s1 =	sld [smem:$0x3F9C];
	s0 =	simm.s32 @p0 $0x1  }
0x13: {  	[smem:$0x3FB7] =	sst s0;
	s0 =	simm.s32 @!p1 $0x0  }
0x14: {  	s2 =	sld [smem:$0x3F9B];
	s0 =	simm.s32 @p1 $0x1  }
0x15: {  	[smem:$0x3FB8] =	sst s0;
	s0 =	simm.s32 @!p2 $0x0  }
0x16: {  	s3 =	sld [smem:$0x3FDB];
	s0 =	simm.s32 @p2 $0x1  }
0x17: {  	s4 =	simm.s32 $0x1BF5;
	[smem:$0x3FBA] =	sst s0  }
0x18: {  	s0 =	sld [smem:$0x3F9D];
	_ =	swait.ge [sflag:s4], $0x0  }
0x19: {  	s7 =	sld [smem:$0x3F9E]  }
0x1a: {  	s8 =	sadd.s32 $0xFFFFE003, lr  }
0x1b: {  	s9 =	sadd.s32 $0xFFFFFEF7, lr;
	s5 =	simm.s32 $0xFFFFFFFF;
	p2 =	slt.u32 s8, $0xFFFFF086  }
0x1c: {  	p1 =	slt.u32 s9, $0xF7A;
	s5 =	simm.s32 @!p2 $0x0  }
0x1d: {  	s5 =	simm.s32 @p1 $0x1;
	p0 =	seq.s32 s7, s2  }
0x1e: {  	s7 =	smul.u32 @!p0 $0xF7A, s2;
	p2 =	seq.s32 @!p0 s5, $0x0  }
0x1f: {  	s9 =	smul.u32 $0xF7A, s1;
	s8 =	simm.s32 @!p0 $0x1BF5;
	p2 =	por !p2, p0  }
0x20: {  	[sflag:s8] =	ssyncset.s32 @!p0 $0xFFFFF086;
	s6 =	sadd.s32 @!p0 s3, s7;
	s7 =	simm.s32 @!p0 $0x108  }
0x21: {  	s3 =	sadd.s32 s3, s9;
	s6 =	sadd.s32 @!p0 $0x88, s6;
	s7 =	simm.s32 @p2 $0x1082  }
0x22: {  	[simem:s7], [sflag:s8] =	dma.local @!p0 [hbm:s6], $0xF7A  }
0x23: {  	s9 =	sor.u32 $0xD0000000, s2;
	s6 =	simm.s32 $0x108;
	_ =	swait.ge @!p0 [sflag:s8], $0x0  }
0x24: {  	s3 =	sadd.s32 $0x88, s3;
	s6 =	simm.s32 @!p1 $0x1082;
	[sflag:s4] =	ssyncset.s32 $0xFFFFF086  }
0x25: {  	[simem:s6], [sflag:s4] =	dma.local [hbm:s3], $0xF7A  }
0x26: {  	[smem:$0x3F9E] =	sst s1;
	(tag) =	ssettag s2;
	_ =	strace s9  }
0x27: {  	s1 =	sld [smem:$0x3FAE]  }
0x28: {  	s2 =	sld [smem:$0x3FAF]  }
0x29: {  	s4 =	sld [smem:$0x3FB1]  }
0x2a: {  	p0 =	seq.s32 s5, $0x0;
	s5 =	sld [smem:$0x3FB2]  }
0x2b: {  	s6 =	sld [smem:$0x3FB3]  }
0x2c: {  	s7 =	sld [smem:$0x3FB4]  }
0x2d: {  	s3 =	simm.s32 $0x108;
	s8 =	sld [smem:$0x3FB5]  }
0x2e: {  	s3 =	simm.s32 @!p0 $0x1082;
	s9 =	sld [smem:$0x3FB6]  }
0x2f: {  	lr =	sadd.s32 s0, s3;
	s0 =	sld [smem:$0x3FAD]  }
0x30: {  	s3 =	sld [smem:$0x3FB0]  }
0x31: {  	[smem:$0x3FB9] =	sst s10  }
0x32: {  	s10 =	sld [smem:$0x3FB7];
	_ =	sdelay $0x3  }
0x33: {  	p0 =	seq.s32 s10, $0x1;
	s10 =	sld [smem:$0x3FB9];
	_ =	sdelay $0x3  }
0x34: {  	[smem:$0x3FB9] =	sst s10  }
0x35: {  	s10 =	sld [smem:$0x3FB8];
	_ =	sdelay $0x3  }
0x36: {  	p1 =	seq.s32 s10, $0x1;
	s10 =	sld [smem:$0x3FB9];
	_ =	sdelay $0x3  }
0x37: {  	[smem:$0x3FB9] =	sst s10  }
0x38: {  	s10 =	sld [smem:$0x3FBA]  }
0x39: {  	_ = 	snop;
	(pc) =	sbr.ind lr, $3  }
0x3a: {  	_ = 	snop  }
0x3b: {  	_ = 	snop  }
0x3c: {  	p2 =	seq.s32 s10, $0x1;
	s10 =	sld [smem:$0x3FB9]  }
0x3d: {  	_ =	shalt  }
0x3e: {  	_ =	shalt  }
0x3f: {  	_ =	shalt  }
0x40: {  	_ =	shalt  }
0x41: {  	_ =	shalt  }
0x42: {  	_ =	shalt  }
0x43: {  	_ =	shalt  }
0x44: {  	_ =	shalt  }
0x45: {  	_ =	shalt  }
0x46: {  	_ =	shalt  }
0x47: {  	_ =	shalt  }
0x48: {  	_ =	shalt  }
0x49: {  	_ =	shalt  }
0x4a: {  	_ =	shalt  }
0x4b: {  	_ =	shalt  }
0x4c: {  	_ =	shalt  }
0x4d: {  	_ =	shalt  }
0x4e: {  	_ =	shalt  }
0x4f: {  	_ =	shalt  }
0x50: {  	_ =	shalt  }
0x51: {  	_ =	shalt  }
0x52: {  	_ =	shalt  }
0x53: {  	_ =	shalt  }
0x54: {  	_ =	shalt  }
0x55: {  	_ =	shalt  }
0x56: {  	_ =	shalt  }
0x57: {  	_ =	shalt  }
0x58: {  	_ =	shalt  }
0x59: {  	_ =	shalt  }
0x5a: {  	_ =	shalt  }
0x5b: {  	_ =	shalt  }
0x5c: {  	_ =	shalt  }
0x5d: {  	_ =	shalt  }
0x5e: {  	_ =	shalt  }
0x5f: {  	_ =	shalt  }
0x60: {  	_ =	shalt  }
0x61: {  	_ =	shalt  }
0x62: {  	_ =	shalt  }
0x63: {  	_ =	shalt  }
0x64: {  	_ =	shalt  }
0x65: {  	_ =	shalt  }
0x66: {  	_ =	shalt  }
0x67: {  	_ =	shalt  }
0x68: {  	_ =	shalt  }
0x69: {  	_ =	shalt  }
0x6a: {  	_ =	shalt  }
0x6b: {  	_ =	shalt  }
0x6c: {  	_ =	shalt  }
0x6d: {  	_ =	shalt  }
0x6e: {  	_ =	shalt  }
0x6f: {  	_ =	shalt  }
0x70: {  	_ =	shalt  }
0x71: {  	_ =	shalt  }
0x72: {  	_ =	shalt  }
0x73: {  	_ =	shalt  }
0x74: {  	_ =	shalt  }
0x75: {  	_ =	shalt  }
0x76: {  	_ =	shalt  }
0x77: {  	_ =	shalt  }
0x78: {  	_ =	shalt  }
0x79: {  	_ =	shalt  }
0x7a: {  	_ =	shalt  }
0x7b: {  	_ =	shalt  }
0x7c: {  	_ =	shalt  }
0x7d: {  	_ =	shalt  }
0x7e: {  	_ =	shalt  }
0x7f: {  	_ =	shalt  }
0x80: {  	_ =	shalt  }
0x81: {  	_ =	shalt  }
0x82: {  	_ =	shalt  }
0x83: {  	_ =	shalt  }
0x84: {  	_ =	shalt  }
0x85: {  	_ =	shalt  }
0x86: {  	_ =	shalt  }
0x87: {  	_ =	shalt  }
.Lfunc_end0:
.L_simem_size_0:
called_computation_lowered:
.L_overlay_start_0:
0x88: {  	s2 =	sld [smem:$0x3FD9]  }
0x89: {  	s3 =	sld [smem:$0x3FFE];
	_ =	sdelay $0x1  }
0x8a: {  	s1 =	srdreg.scid  }
0x8b: {  	s0 =	sand.u32 $0x1, s1  }
0x8c: {  	s16 =	sshll.u32 s0, $0xA;
	s2 =	sadd.s32 s3, s2  }
0x8d: {  	s2 =	sadd.s32 s2, s16  }
0x8e: {  	[smem:$0x3FC5] =	sst s2  }
0x8f: {  	_ = 	snop  }
0x90: {  	(tm) =	ssettm $0x1  }
0x91: {  	s17 =	sld [smem:$0x3FFB];
	_ =	sdelay $0x3  }
0x92: {  	_ =	strace s17  }
0x93: {  	s2 =	sld [smem:$0x3FFC];
	_ =	sdelay $0x3  }
0x94: {  	_ =	strace s2  }
0x95: {  	s2 =	sld [smem:$0x3FFD];
	_ =	sdelay $0x3  }
0x96: {  	_ =	strace s2  }
0x97: {  	_ =	strace $0x8FFFFFFF  }
0x98: {  	s18 =	sld [smem:$0x3FDB];
	_ =	sdelay $0x1  }
0x99: {  	s19 =	simm.s32 $_scs_section_size  }
0x9a: {  	s4 =	simm.s32 $_size__tile_overlayer_lowered;
	s5 =	simm.s32 $_tile_overlayer_lowered  }
0x9b: {  	s22 =	simm.s32 $0x1BFF;
	s21 =	sshll.u32 s5, $0x1;
	s2 =	sadd.s32 s19, s18  }
0x9c: {  	s6 =	simm.s32 $0x0;
	s20 =	sshll.u32 s4, $0x1;
	s4 =	sadd.s32 s21, s2  }
0x9d: {  	[timem:s6], [sflag:s22] =	dma.local [hbm:s4], s20  }
0x9e: {  	_ =	swait.ge [sflag:s22], s20  }
0x9f: {  	s3 =	ssub.s32 $0x0, s20;
	[sflag:s22] =	ssyncset.done $0x0  }
0xa0: {  	[sflag:s22] =	ssyncadd.s32 s3;
	_ =	sdelay $0x1  }
0xa1: {  	s23 =	simm.s32 $0x1B8B  }
0xa2: {  	_ =	swait.ge [sflag:s23], $0x1  }
0xa3: {  	[sflag:s23] =	ssyncset.done $0x0  }
0xa4: {  	s25 =	simm.s32 $0x1B8E;
	s24 =	sld [smem:$0x3FFE];
	[sflag:s23] =	ssyncadd.s32 $0xFFFFFFFF  }
0xa5: {  	s26 =	simm.s32 $execute0_lowered;
	[smem:$0x3FD2] =	sst s25  }
0xa6: {  	s4 =	sshll.u32 s26, $0x1;
	_ =	strace $0x80000046;
	[dreg:$0x1] =	wrdreg $0xFFFFFFFF  }
0xa7: {  	s28 =	simm.s32 $_size_execute0_lowered;
	s2 =	sadd.s32 s2, s4;
	[dreg:$0x0] =	wrdreg $0x0  }
0xa8: {  	s4 =	sshll.u32 s28, $0x1;
	[dreg:$0x2] =	wrdreg s2  }
0xa9: {  	[dreg:$0x3] =	wrdreg s4  }
0xaa: {  	[dreg:$0x4] =	wrdreg $0xC0  }
0xab: {  	_ =	task [dreg:s6], $0x5FFFF  }
0xac: {  	[dreg:$0x1] =	wrdreg $0xFFFFFFFF  }
0xad: {  	[dreg:$0x0] =	wrdreg $0x60  }
0xae: {  	[dreg:$0x2] =	wrdreg s24  }
0xaf: {  	[dreg:$0x3] =	wrdreg $0x9  }
0xb0: {  	_ =	task.clear_ibuf [dreg:s6], $0x4FFFF;
	_ =	strace $0x90000046  }
0xb1: {  	s29 =	simm.s32 $0x9;
	_ =	strace $0x80000048  }
0xb2: {  	_ =	swait.ge [sflag:s29], $0x1  }
0xb3: {  	[sflag:s29] =	ssyncadd.s32 $0xFFFFFFFF  }
0xb4: {  	_ =	strace $0x90000048  }
0xb5: {  	_ =	sfence  }
0xb6: {  	s30 =	sld [smem:$0x0];
	_ =	sdelay $0x2  }
0xb7: {  	s31 =	sshll.u32 s1, $0xD;
	s1 =	sshrl.u32 s1, $0x2  }
0xb8: {  	s3 =	sand.u32 $0x4000, s31;
	s1 =	sadd.s32 s1, s30  }
0xb9: {  	s0 =	sor.u32 s3, s0;
	s1 =	sshll.u32 s1, $0x11  }
0xba: {  	s0 =	sor.u32 s1, s0  }
0xbb: {  	s0 =	sadd.s32 $0x8F2B, s0  }
0xbc: {  	[sflag:s0] =	ssyncadd.remote.s32 $0x1  }
0xbd: {  	_ =	sfence.sel $0xFFFF  }
0xbe: {  	[dreg:$0x0] =	wrdreg $0xFFFFFFFF;
	(pc) =	sbr.abs _section_cstart, $3  }
0xbf: {  	[dreg:$0x1] =	wrdreg $0xFFFFFFFF  }
0xc0: {  	_ =	task.clear_ibuf [dreg:s6], $0x2FFFF;
	_ =	strace $0x9FFFFFFF  }
0xc1: {  	(tm) =	ssettm $0x7FFFFFFF  }
tec
execute0_lowered:
.L_overlay_start_1:
0x0: {  	(tag) =	ssettag $0x1  }
0x1: {  	s3 =	rddreg [dreg:$0x0]  }
0x2: {  	s0 =	rddreg [dreg:$0x1]  }
0x3: {  	s4 =	srdreg.scid;
	s1 =	stileid.u32;
	s2 =	simm.s32 $0x0  }
0x4: {  	s22 =	simm.s32 $0x8;
	s23 =	simm.s32 $0x60;
	s24 =	simm.s32 $0x1  }
0x5: {  	s25 =	simm.s32 $0x3100;
	s28 =	simm.s32 $0x0;
	s4 =	sand.u32 $0x1, s4  }
0x6: {  	s5 =	sshll.u32 s1, $0x1;
	[smem:$0x7FF] =	sst s2;
	s17 =	sadd.s32 $0x200, s3  }
0x7: {  	s18 =	sadd.s32 $0x620200, s3;
	s5 =	sor.u32 s4, s5;
	_ =	strace $0x80000047  }
0x8: {  	s26 =	ssub.s32 $0x2, s4;
	s6 =	smul.u32 $0x24C00, s5;
	s7 =	sshll.u32 s5, $0x2  }
0x9: {  	s14 =	smul.u32 $0x126000, s5;
	s4 =	sshrl.u32 s26, $0x1;
	s20 =	sadd.s32 s7, s3  }
0xa: {  	s21 =	ssub.s32 s26, s4;
	s26 =	simm.s32 $0x6200;
	s29 =	sor.u32 $0x1, s6  }
0xb: {  	s30 =	sadd.s32 $0x24C08, s14;
	s31 =	sadd.s32 $0x49808, s14;
	s9 =	sadd.s32 $0x6E408, s14  }
0xc: {  	s11 =	sadd.s32 $0x93008, s14;
	s13 =	sadd.s32 $0xB7C08, s14;
	s16 =	sadd.s32 $0xDC808, s14  }
0xd: {  	s19 =	sadd.s32 $0x101408, s14;
	s21 =	smax.u32 s21, $0x1;
	s3 =	sadd.s32 s17, s29  }
0xe: {  	s6 =	sshrl.u32 s30, $0x3;
	s4 =	sadd.s32 s18, s29;
	s8 =	sshrl.u32 s31, $0x3  }
0xf: {  	s10 =	sshrl.u32 s9, $0x3;
	s12 =	sshrl.u32 s11, $0x3;
	s15 =	sshrl.u32 s13, $0x3  }
0x10: {  	s16 =	sshrl.u32 s16, $0x3;
	s19 =	sshrl.u32 s19, $0x3;
	s5 =	sadd.s32 s17, s6  }
0x11: {  	s6 =	sadd.s32 s18, s6;
	s7 =	sadd.s32 s17, s8;
	s8 =	sadd.s32 s18, s8  }
0x12: {  	s9 =	sadd.s32 s17, s10;
	s10 =	sadd.s32 s18, s10;
	s11 =	sadd.s32 s17, s12  }
0x13: {  	s12 =	sadd.s32 s18, s12;
	s13 =	sadd.s32 s17, s15;
	s14 =	sadd.s32 s18, s15  }
0x14: {  	v0 =	vlaneseq.u32;
	s15 =	sadd.s32 s17, s16;
	s16 =	sadd.s32 s18, s16;
	s17 =	sadd.s32 s17, s19  }
0x15: {  	v0 =	vmul.u32 $0x8, v0;
	s18 =	sadd.s32 s18, s19;
	s19 =	sadd.s32 $0x498200, s20;
	s20 =	sadd.s32 $0x498202, s20  }
.LBB2_1:
0x16: {  	[tilespmem:s2], [sflag:$0x1] =	stream.strided.gather [hbm4b:s3+s22], $0x3100, s23, s22, $0x38;
	v1 =	vmov s2;
	[tilespmem:$0x6210] =	vst v63  }
0x17: {  	_ =	swait.ge [sflag:s24], $0x3100;
	v1 =	vshll.u32 v1, $0x3  }
0x18: {  	[sflag:s24] =	ssyncset.done $0x0;
	v1 =	vor.u32 v0, v1  }
0x19: {  	[sflag:s24] =	ssyncadd.s32 $0xFFFFCF00;
	v2 =	vor.u32 $0x4, v1  }
0x1a: {  	[tilespmem:s25], [sflag:$0x1] =	stream.strided.gather [hbm4b:s4+s22], $0x3100, s23, s22, $0x38;
	[tilespmem:$0x6210] =	vst v63  }
0x1b: {  	s29 =	simm.s32 $0x10;
	v3 =	vor.u32 $0x5, v1;
	_ =	swait.ge [sflag:s24], $0x3100  }
0x1c: {  	v4 =	vmov s29;
	[sflag:s24] =	ssyncset.done $0x0  }
0x1d: {  	v4 =	vshll.u32 v4, $0x3;
	v1 =	vor.u32 $0x6, v1;
	[sflag:s24] =	ssyncadd.s32 $0xFFFFCF00  }
0x1e: {  	v6 =	vor.u32 v0, v4;
	v4 =	vld.idx.msk [tilespmem:v2+s25+$0x0], $0xffff  }
0x1f: {  	v13 =	vor.u32 $0x4, v6;
	v12 =	vld.idx.msk [tilespmem:v2+s2+$0x0], $0xffff  }
0x20: {  	v14 =	vld.idx.msk [tilespmem:v3+s2+$0x0], $0xffff  }
0x21: {  	s29 =	simm.s32 $0x20;
	v10 =	vor.u32 $0x5, v6;
	v5 =	vld.idx.msk [tilespmem:v3+s25+$0x0], $0xffff  }
0x22: {  	v9 =	vmov s29;
	v7 =	vld.idx.msk [tilespmem:v1+s2+$0x0], $0xffff  }
0x23: {  	v9 =	vshll.u32 v9, $0x3;
	v11 =	vor.u32 $0x6, v6;
	v8 =	vld.idx.msk [tilespmem:v1+s25+$0x0], $0xffff  }
0x24: {  	v9 =	vor.u32 v0, v9;
	v2 =	vimm.f32 $0.0e+00;
	v1 =	vld.idx.msk [tilespmem:v13+s25+$0x0], $0xffff  }
0x25: {  	s29 =	simm.s32 $0x30;
	v3 =	vimm.f32 $-Inf;
	v6 =	vld.idx.msk [tilespmem:v13+s2+$0x0], $0xffff;
	v12 =	vmul.f32 v12, v12;
	v13 =	vmul.f32 v14, v14  }
.LBB2_2:
0x26: {  	p0 =	sne.s32 s29, $0x610;
	v14 =	vor.u32 $0x4, v9;
	v15 =	vld.idx.msk [tilespmem:v10+s2+$0x0], $0xffff;
	v16 =	vadd.f32 v5, v4;
	v17 =	vmov v5  }
0x27: {  	v5 =	vld.idx.msk [tilespmem:v10+s25+$0x0], $0xffff;
	v12 =	vadd.f32 v13, v12;
	v13 =	vmul.f32 v7, v7  }
.Ltmp0:
0x28: {  	v10 =	vor.u32 $0x5, v9;
	v17 =	vmax.f32 v17, v8;
	v7 =	vld.idx.msk [tilespmem:v11+s2+$0x0], $0xffff;
	v16 =	vadd.f32 v8, v16;
	(pc) =	sbr.rel @p0 .LBB2_2-.Ltmp0, $4  }
0x29: {  	v18 =	vmov s29;
	v8 =	vld.idx.msk [tilespmem:v11+s25+$0x0], $0xffff;
	v12 =	vadd.f32 v13, v12;
	v13 =	vmax.f32 v4, v17  }
0x2a: {  	v17 =	vshll.u32 v18, $0x3;
	v11 =	vor.u32 $0x6, v9;
	v4 =	vmovc v1;
	vm0 =	veq.f32 v16, $0.0e+00  }
0x2b: {  	v9 =	vor.u32 v0, v17;
	v3 =	vmax.f32 v3, v13;
	v1 =	vld.idx.msk [tilespmem:v14+s25+$0x0], $0xffff;
	v16 =	vnsel vm0, $0x0, v12  }
0x2c: {  	s29 =	sadd.s32 $0x10, s29;
	v12 =	vmul.f32 v6, v6;
	v13 =	vmul.f32 v15, v15;
	v6 =	vld.idx.msk [tilespmem:v14+s2+$0x0], $0xffff;
	v2 =	vadd.f32 v16, v2  }
0x2d: {  	_ =	sdelay $0x2  }
0x2e: {  	v14 =	vor.u32 $0x4, v9  }
0x2f: {  	v15 =	vld.idx.msk [tilespmem:v10+s2+$0x0], $0xffff  }
0x30: {  	v10 =	vld.idx.msk [tilespmem:v10+s25+$0x0], $0xffff;
	v16 =	vor.u32 $0x5, v9  }
0x31: {  	v17 =	vld.idx.msk [tilespmem:v11+s2+$0x0], $0xffff  }
0x32: {  	v11 =	vld.idx.msk [tilespmem:v11+s25+$0x0], $0xffff;
	v9 =	vor.u32 $0x6, v9  }
0x33: {  	v18 =	vld.idx.msk [tilespmem:v14+s25+$0x0], $0xffff  }
0x34: {  	v19 =	vadd.f32 v5, v4;
	v14 =	vld.idx.msk [tilespmem:v14+s2+$0x0], $0xffff  }
0x35: {  	v7 =	vmul.f32 v7, v7;
	s29 =	simm.s32 $0x0;
	v12 =	vadd.f32 v13, v12;
	v5 =	vmax.f32 v5, v8;
	v20 =	vld.idx.msk [tilespmem:v16+s2+$0x0], $0xffff  }
0x36: {  	v60 =	vadd.f32 v8, v19;
	v4 =	vmax.f32 v4, v5;
	v5 =	vmov s29;
	v13 =	vld.idx.msk [tilespmem:v16+s25+$0x0], $0xffff  }
0x37: {  	v7 =	vadd.f32 v7, v12;
	v5 =	vshll.u32 v5, $0x3;
	v61 =	vld.idx.msk [tilespmem:v9+s2+$0x0], $0xffff  }
0x38: {  	vm0 =	veq.f32 v60, $0.0e+00;
	v6 =	vmul.f32 v6, v6;
	v8 =	vld.idx.msk [tilespmem:v9+s25+$0x0], $0xffff;
	[tilespmem:s29], [sflag:$0x1] =	stream.strided.gather [hbm4b:s5+s22], $0x3100, s23, s22, $0x38;
	v9 =	vmul.f32 v15, v15  }
0x39: {  	v3 =	vmax.f32 v3, v4;
	v5 =	vor.u32 v0, v5;
	v7 =	vnsel vm0, $0x0, v7;
	_ =	swait.ge [sflag:s24], $0x3100  }
0x3a: {  	v12 =	vadd.f32 v10, v1;
	[sflag:s24] =	ssyncset.done $0x0;
	v6 =	vadd.f32 v9, v6;
	v9 =	vmul.f32 v17, v17  }
0x3b: {  	v15 =	vor.u32 $0x4, v5;
	v10 =	vmax.f32 v10, v11;
	v2 =	vadd.f32 v7, v2;
	[sflag:s24] =	ssyncadd.s32 $0xFFFFCF00  }
0x3c: {  	v62 =	vor.u32 $0x6, v5;
	v7 =	vadd.f32 v11, v12;
	[tilespmem:s25], [sflag:$0x1] =	stream.strided.gather [hbm4b:s6+s22], $0x3100, s23, s22, $0x38;
	v6 =	vadd.f32 v9, v6;
	[tilespmem:$0x6210] =	vst v63  }
0x3d: {  	s29 =	simm.s32 $0x10;
	v9 =	vor.u32 $0x5, v5;
	_ =	swait.ge [sflag:s24], $0x3100;
	v4 =	vmul.f32 v14, v14;
	v11 =	vmul.f32 v20, v20  }
0x3e: {  	v1 =	vmax.f32 v1, v10;
	v12 =	vmov s29;
	v14 =	vadd.f32 v13, v18;
	[sflag:s24] =	ssyncset.done $0x0  }
0x3f: {  	v12 =	vshll.u32 v12, $0x3;
	[sflag:s24] =	ssyncadd.s32 $0xFFFFCF00;
	v5 =	vadd.f32 v11, v4;
	v11 =	vmul.f32 v61, v61  }
0x40: {  	v12 =	vor.u32 v0, v12;
	vm14 =	veq.f32 v7, $0.0e+00;
	v7 =	vadd.f32 v8, v14;
	v4 =	vld.idx.msk [tilespmem:v15+s25+$0x0], $0xffff  }
0x41: {  	v6 =	vnsel vm14, $0x0, v6;
	v14 =	vld.idx.msk [tilespmem:v15+s2+$0x0], $0xffff;
	v15 =	vor.u32 $0x4, v12;
	v10 =	vadd.f32 v11, v5  }
0x42: {  	v1 =	vmax.f32 v3, v1;
	v6 =	vadd.f32 v6, v2;
	v63 =	vld.idx.msk [tilespmem:v9+s2+$0x0], $0xffff;
	vm15 =	veq.f32 v7, $0.0e+00  }
0x43: {  	v2 =	vmax.f32 v13, v8;
	v5 =	vld.idx.msk [tilespmem:v9+s25+$0x0], $0xffff;
	v3 =	vnsel vm15, $0x0, v10;
	v10 =	vor.u32 $0x5, v12  }
0x44: {  	s29 =	simm.s32 $0x20;
	v2 =	vmax.f32 v18, v2;
	v7 =	vld.idx.msk [tilespmem:v62+s2+$0x0], $0xffff  }
0x45: {  	v8 =	vld.idx.msk [tilespmem:v62+s25+$0x0], $0xffff;
	v2 =	vmax.f32 v1, v2;
	v1 =	vmov s29;
	v11 =	vor.u32 $0x6, v12  }
0x46: {  	v3 =	vadd.f32 v3, v6;
	v6 =	vshll.u32 v1, $0x3;
	v1 =	vld.idx.msk [tilespmem:v15+s25+$0x0], $0xffff  }
0x47: {  	s29 =	simm.s32 $0x30;
	v9 =	vor.u32 v0, v6;
	v6 =	vld.idx.msk [tilespmem:v15+s2+$0x0], $0xffff;
	v12 =	vmul.f32 v14, v14;
	v13 =	vmul.f32 v63, v63  }
.LBB2_4:
0x48: {  	p0 =	sne.s32 s29, $0x610;
	v14 =	vor.u32 $0x4, v9;
	v15 =	vld.idx.msk [tilespmem:v10+s2+$0x0], $0xffff;
	v16 =	vadd.f32 v5, v4;
	v17 =	vmov v5  }
0x49: {  	v5 =	vld.idx.msk [tilespmem:v10+s25+$0x0], $0xffff;
	v12 =	vadd.f32 v13, v12;
	v13 =	vmul.f32 v7, v7  }
.Ltmp1:
0x4a: {  	v10 =	vor.u32 $0x5, v9;
	v17 =	vmax.f32 v17, v8;
	v7 =	vld.idx.msk [tilespmem:v11+s2+$0x0], $0xffff;
	v16 =	vadd.f32 v8, v16;
	(pc) =	sbr.rel @p0 .LBB2_4-.Ltmp1, $4  }
0x4b: {  	v18 =	vmov s29;
	v8 =	vld.idx.msk [tilespmem:v11+s25+$0x0], $0xffff;
	v12 =	vadd.f32 v13, v12;
	v13 =	vmax.f32 v4, v17  }
0x4c: {  	v17 =	vshll.u32 v18, $0x3;
	v11 =	vor.u32 $0x6, v9;
	v4 =	vmovc v1;
	vm0 =	veq.f32 v16, $0.0e+00  }
0x4d: {  	v9 =	vor.u32 v0, v17;
	v2 =	vmax.f32 v2, v13;
	v1 =	vld.idx.msk [tilespmem:v14+s25+$0x0], $0xffff;
	v16 =	vnsel vm0, $0x0, v12  }
0x4e: {  	s29 =	sadd.s32 $0x10, s29;
	v12 =	vmul.f32 v6, v6;
	v13 =	vmul.f32 v15, v15;
	v6 =	vld.idx.msk [tilespmem:v14+s2+$0x0], $0xffff;
	v3 =	vadd.f32 v16, v3  }
0x4f: {  	_ =	sdelay $0x2  }
0x50: {  	v14 =	vor.u32 $0x4, v9  }
0x51: {  	v15 =	vld.idx.msk [tilespmem:v10+s2+$0x0], $0xffff  }
0x52: {  	v10 =	vld.idx.msk [tilespmem:v10+s25+$0x0], $0xffff;
	v16 =	vor.u32 $0x5, v9  }
0x53: {  	v17 =	vld.idx.msk [tilespmem:v11+s2+$0x0], $0xffff  }
0x54: {  	v11 =	vld.idx.msk [tilespmem:v11+s25+$0x0], $0xffff;
	v9 =	vor.u32 $0x6, v9  }
0x55: {  	v18 =	vld.idx.msk [tilespmem:v14+s25+$0x0], $0xffff  }
0x56: {  	v19 =	vadd.f32 v5, v4;
	v14 =	vld.idx.msk [tilespmem:v14+s2+$0x0], $0xffff  }
0x57: {  	v7 =	vmul.f32 v7, v7;
	s29 =	simm.s32 $0x0;
	v12 =	vadd.f32 v13, v12;
	v5 =	vmax.f32 v5, v8;
	v20 =	vld.idx.msk [tilespmem:v16+s2+$0x0], $0xffff  }
0x58: {  	v60 =	vadd.f32 v8, v19;
	v4 =	vmax.f32 v4, v5;
	v5 =	vmov s29;
	v13 =	vld.idx.msk [tilespmem:v16+s25+$0x0], $0xffff  }
0x59: {  	v7 =	vadd.f32 v7, v12;
	v5 =	vshll.u32 v5, $0x3;
	v2 =	vmax.f32 v2, v4;
	v61 =	vld.idx.msk [tilespmem:v9+s2+$0x0], $0xffff  }
0x5a: {  	vm0 =	veq.f32 v60, $0.0e+00;
	v6 =	vmul.f32 v6, v6;
	v8 =	vld.idx.msk [tilespmem:v9+s25+$0x0], $0xffff;
	[tilespmem:s29], [sflag:$0x1] =	stream.strided.gather [hbm4b:s7+s22], $0x3100, s23, s22, $0x38;
	v9 =	vmul.f32 v15, v15  }
0x5b: {  	v5 =	vor.u32 v0, v5;
	v7 =	vnsel vm0, $0x0, v7;
	v12 =	vadd.f32 v10, v1;
	_ =	swait.ge [sflag:s24], $0x3100  }
0x5c: {  	v15 =	vor.u32 $0x4, v5;
	[sflag:s24] =	ssyncset.done $0x0;
	v6 =	vadd.f32 v9, v6;
	v9 =	vmul.f32 v17, v17  }
0x5d: {  	v10 =	vmax.f32 v10, v11;
	v62 =	vor.u32 $0x6, v5;
	v3 =	vadd.f32 v7, v3;
	[sflag:s24] =	ssyncadd.s32 $0xFFFFCF00  }
0x5e: {  	v1 =	vmax.f32 v1, v10;
	v7 =	vadd.f32 v11, v12;
	[tilespmem:s25], [sflag:$0x1] =	stream.strided.gather [hbm4b:s8+s22], $0x3100, s23, s22, $0x38;
	v6 =	vadd.f32 v9, v6;
	[tilespmem:$0x6210] =	vst v63  }
0x5f: {  	s29 =	simm.s32 $0x10;
	v9 =	vor.u32 $0x5, v5;
	_ =	swait.ge [sflag:s24], $0x3100;
	v4 =	vmul.f32 v14, v14;
	v11 =	vmul.f32 v20, v20  }
0x60: {  	v12 =	vmov s29;
	v1 =	vmax.f32 v2, v1;
	v14 =	vadd.f32 v13, v18;
	[sflag:s24] =	ssyncset.done $0x0  }
0x61: {  	v12 =	vshll.u32 v12, $0x3;
	[sflag:s24] =	ssyncadd.s32 $0xFFFFCF00;
	v5 =	vadd.f32 v11, v4;
	v11 =	vmul.f32 v61, v61  }
0x62: {  	v12 =	vor.u32 v0, v12;
	vm14 =	veq.f32 v7, $0.0e+00;
	v7 =	vadd.f32 v8, v14;
	v4 =	vld.idx.msk [tilespmem:v15+s25+$0x0], $0xffff  }
0x63: {  	v6 =	vnsel vm14, $0x0, v6;
	v14 =	vld.idx.msk [tilespmem:v15+s2+$0x0], $0xffff;
	v15 =	vor.u32 $0x4, v12;
	v10 =	vadd.f32 v11, v5  }
0x64: {  	v3 =	vadd.f32 v6, v3;
	v6 =	vmax.f32 v13, v8;
	v63 =	vld.idx.msk [tilespmem:v9+s2+$0x0], $0xffff;
	vm15 =	veq.f32 v7, $0.0e+00  }
0x65: {  	v2 =	vmax.f32 v18, v6;
	v5 =	vld.idx.msk [tilespmem:v9+s25+$0x0], $0xffff;
	v6 =	vnsel vm15, $0x0, v10;
	v10 =	vor.u32 $0x5, v12  }
0x66: {  	s29 =	simm.s32 $0x20;
	v7 =	vld.idx.msk [tilespmem:v62+s2+$0x0], $0xffff  }
0x67: {  	v8 =	vld.idx.msk [tilespmem:v62+s25+$0x0], $0xffff;
	v2 =	vmax.f32 v1, v2;
	v1 =	vmov s29;
	v11 =	vor.u32 $0x6, v12  }
0x68: {  	v3 =	vadd.f32 v6, v3;
	v6 =	vshll.u32 v1, $0x3;
	v1 =	vld.idx.msk [tilespmem:v15+s25+$0x0], $0xffff  }
0x69: {  	s29 =	simm.s32 $0x30;
	v9 =	vor.u32 v0, v6;
	v6 =	vld.idx.msk [tilespmem:v15+s2+$0x0], $0xffff;
	v12 =	vmul.f32 v14, v14;
	v13 =	vmul.f32 v63, v63  }
.LBB2_6:
0x6a: {  	p0 =	sne.s32 s29, $0x610;
	v14 =	vor.u32 $0x4, v9;
	v15 =	vld.idx.msk [tilespmem:v10+s2+$0x0], $0xffff;
	v16 =	vadd.f32 v5, v4;
	v17 =	vmov v5  }
0x6b: {  	v5 =	vld.idx.msk [tilespmem:v10+s25+$0x0], $0xffff;
	v12 =	vadd.f32 v13, v12;
	v13 =	vmul.f32 v7, v7  }
.Ltmp2:
0x6c: {  	v10 =	vor.u32 $0x5, v9;
	v17 =	vmax.f32 v17, v8;
	v7 =	vld.idx.msk [tilespmem:v11+s2+$0x0], $0xffff;
	v16 =	vadd.f32 v8, v16;
	(pc) =	sbr.rel @p0 .LBB2_6-.Ltmp2, $4  }
0x6d: {  	v18 =	vmov s29;
	v8 =	vld.idx.msk [tilespmem:v11+s25+$0x0], $0xffff;
	v12 =	vadd.f32 v13, v12;
	v13 =	vmax.f32 v4, v17  }
0x6e: {  	v17 =	vshll.u32 v18, $0x3;
	v11 =	vor.u32 $0x6, v9;
	v4 =	vmovc v1;
	vm0 =	veq.f32 v16, $0.0e+00  }
0x6f: {  	v9 =	vor.u32 v0, v17;
	v2 =	vmax.f32 v2, v13;
	v1 =	vld.idx.msk [tilespmem:v14+s25+$0x0], $0xffff;
	v16 =	vnsel vm0, $0x0, v12  }
0x70: {  	s29 =	sadd.s32 $0x10, s29;
	v12 =	vmul.f32 v6, v6;
	v13 =	vmul.f32 v15, v15;
	v6 =	vld.idx.msk [tilespmem:v14+s2+$0x0], $0xffff;
	v3 =	vadd.f32 v16, v3  }
0x71: {  	_ =	sdelay $0x2  }
0x72: {  	v14 =	vor.u32 $0x4, v9  }
0x73: {  	v15 =	vld.idx.msk [tilespmem:v10+s2+$0x0], $0xffff  }
0x74: {  	v10 =	vld.idx.msk [tilespmem:v10+s25+$0x0], $0xffff;
	v16 =	vor.u32 $0x5, v9  }
0x75: {  	v17 =	vld.idx.msk [tilespmem:v11+s2+$0x0], $0xffff  }
0x76: {  	v11 =	vld.idx.msk [tilespmem:v11+s25+$0x0], $0xffff;
	v9 =	vor.u32 $0x6, v9  }
0x77: {  	v18 =	vld.idx.msk [tilespmem:v14+s25+$0x0], $0xffff  }
0x78: {  	v19 =	vadd.f32 v5, v4;
	v14 =	vld.idx.msk [tilespmem:v14+s2+$0x0], $0xffff  }
0x79: {  	v7 =	vmul.f32 v7, v7;
	s29 =	simm.s32 $0x0;
	v12 =	vadd.f32 v13, v12;
	v5 =	vmax.f32 v5, v8;
	v20 =	vld.idx.msk [tilespmem:v16+s2+$0x0], $0xffff  }
0x7a: {  	v60 =	vadd.f32 v8, v19;
	v4 =	vmax.f32 v4, v5;
	v5 =	vmov s29;
	v13 =	vld.idx.msk [tilespmem:v16+s25+$0x0], $0xffff  }
0x7b: {  	v7 =	vadd.f32 v7, v12;
	v5 =	vshll.u32 v5, $0x3;
	v2 =	vmax.f32 v2, v4;
	v61 =	vld.idx.msk [tilespmem:v9+s2+$0x0], $0xffff  }
0x7c: {  	vm0 =	veq.f32 v60, $0.0e+00;
	v6 =	vmul.f32 v6, v6;
	v8 =	vld.idx.msk [tilespmem:v9+s25+$0x0], $0xffff;
	[tilespmem:s29], [sflag:$0x1] =	stream.strided.gather [hbm4b:s9+s22], $0x3100, s23, s22, $0x38;
	v9 =	vmul.f32 v15, v15  }
0x7d: {  	v5 =	vor.u32 v0, v5;
	v7 =	vnsel vm0, $0x0, v7;
	v12 =	vadd.f32 v10, v1;
	_ =	swait.ge [sflag:s24], $0x3100  }
0x7e: {  	v15 =	vor.u32 $0x4, v5;
	[sflag:s24] =	ssyncset.done $0x0;
	v6 =	vadd.f32 v9, v6;
	v9 =	vmul.f32 v17, v17  }
0x7f: {  	v10 =	vmax.f32 v10, v11;
	v62 =	vor.u32 $0x6, v5;
	v3 =	vadd.f32 v7, v3;
	[sflag:s24] =	ssyncadd.s32 $0xFFFFCF00  }
0x80: {  	v1 =	vmax.f32 v1, v10;
	v7 =	vadd.f32 v11, v12;
	[tilespmem:s25], [sflag:$0x1] =	stream.strided.gather [hbm4b:s10+s22], $0x3100, s23, s22, $0x38;
	v6 =	vadd.f32 v9, v6;
	[tilespmem:$0x6210] =	vst v63  }
0x81: {  	s29 =	simm.s32 $0x10;
	v9 =	vor.u32 $0x5, v5;
	_ =	swait.ge [sflag:s24], $0x3100;
	v4 =	vmul.f32 v14, v14;
	v11 =	vmul.f32 v20, v20  }
0x82: {  	v12 =	vmov s29;
	v1 =	vmax.f32 v2, v1;
	v14 =	vadd.f32 v13, v18;
	[sflag:s24] =	ssyncset.done $0x0  }
0x83: {  	v12 =	vshll.u32 v12, $0x3;
	[sflag:s24] =	ssyncadd.s32 $0xFFFFCF00;
	v5 =	vadd.f32 v11, v4;
	v11 =	vmul.f32 v61, v61  }
0x84: {  	v12 =	vor.u32 v0, v12;
	vm14 =	veq.f32 v7, $0.0e+00;
	v7 =	vadd.f32 v8, v14;
	v4 =	vld.idx.msk [tilespmem:v15+s25+$0x0], $0xffff  }
0x85: {  	v6 =	vnsel vm14, $0x0, v6;
	v14 =	vld.idx.msk [tilespmem:v15+s2+$0x0], $0xffff;
	v15 =	vor.u32 $0x4, v12;
	v10 =	vadd.f32 v11, v5  }
0x86: {  	v3 =	vadd.f32 v6, v3;
	v6 =	vmax.f32 v13, v8;
	v63 =	vld.idx.msk [tilespmem:v9+s2+$0x0], $0xffff;
	vm15 =	veq.f32 v7, $0.0e+00  }
0x87: {  	v2 =	vmax.f32 v18, v6;
	v5 =	vld.idx.msk [tilespmem:v9+s25+$0x0], $0xffff;
	v6 =	vnsel vm15, $0x0, v10;
	v10 =	vor.u32 $0x5, v12  }
0x88: {  	s29 =	simm.s32 $0x20;
	v7 =	vld.idx.msk [tilespmem:v62+s2+$0x0], $0xffff  }
0x89: {  	v8 =	vld.idx.msk [tilespmem:v62+s25+$0x0], $0xffff;
	v2 =	vmax.f32 v1, v2;
	v1 =	vmov s29;
	v11 =	vor.u32 $0x6, v12  }
0x8a: {  	v3 =	vadd.f32 v6, v3;
	v6 =	vshll.u32 v1, $0x3;
	v1 =	vld.idx.msk [tilespmem:v15+s25+$0x0], $0xffff  }
0x8b: {  	s29 =	simm.s32 $0x30;
	v9 =	vor.u32 v0, v6;
	v6 =	vld.idx.msk [tilespmem:v15+s2+$0x0], $0xffff;
	v12 =	vmul.f32 v14, v14;
	v13 =	vmul.f32 v63, v63  }
.LBB2_8:
0x8c: {  	p0 =	sne.s32 s29, $0x610;
	v14 =	vor.u32 $0x4, v9;
	v15 =	vld.idx.msk [tilespmem:v10+s2+$0x0], $0xffff;
	v16 =	vadd.f32 v5, v4;
	v17 =	vmov v5  }
0x8d: {  	v5 =	vld.idx.msk [tilespmem:v10+s25+$0x0], $0xffff;
	v12 =	vadd.f32 v13, v12;
	v13 =	vmul.f32 v7, v7  }
.Ltmp3:
0x8e: {  	v10 =	vor.u32 $0x5, v9;
	v17 =	vmax.f32 v17, v8;
	v7 =	vld.idx.msk [tilespmem:v11+s2+$0x0], $0xffff;
	v16 =	vadd.f32 v8, v16;
	(pc) =	sbr.rel @p0 .LBB2_8-.Ltmp3, $4  }
0x8f: {  	v18 =	vmov s29;
	v8 =	vld.idx.msk [tilespmem:v11+s25+$0x0], $0xffff;
	v12 =	vadd.f32 v13, v12;
	v13 =	vmax.f32 v4, v17  }
0x90: {  	v17 =	vshll.u32 v18, $0x3;
	v11 =	vor.u32 $0x6, v9;
	v4 =	vmovc v1;
	vm0 =	veq.f32 v16, $0.0e+00  }
0x91: {  	v9 =	vor.u32 v0, v17;
	v2 =	vmax.f32 v2, v13;
	v1 =	vld.idx.msk [tilespmem:v14+s25+$0x0], $0xffff;
	v16 =	vnsel vm0, $0x0, v12  }
0x92: {  	s29 =	sadd.s32 $0x10, s29;
	v12 =	vmul.f32 v6, v6;
	v13 =	vmul.f32 v15, v15;
	v6 =	vld.idx.msk [tilespmem:v14+s2+$0x0], $0xffff;
	v3 =	vadd.f32 v16, v3  }
0x93: {  	_ =	sdelay $0x2  }
0x94: {  	v14 =	vor.u32 $0x4, v9  }
0x95: {  	v15 =	vld.idx.msk [tilespmem:v10+s2+$0x0], $0xffff  }
0x96: {  	v10 =	vld.idx.msk [tilespmem:v10+s25+$0x0], $0xffff;
	v16 =	vor.u32 $0x5, v9  }
0x97: {  	v17 =	vld.idx.msk [tilespmem:v11+s2+$0x0], $0xffff  }
0x98: {  	v11 =	vld.idx.msk [tilespmem:v11+s25+$0x0], $0xffff;
	v9 =	vor.u32 $0x6, v9  }
0x99: {  	v18 =	vld.idx.msk [tilespmem:v14+s25+$0x0], $0xffff  }
0x9a: {  	v19 =	vadd.f32 v5, v4;
	v14 =	vld.idx.msk [tilespmem:v14+s2+$0x0], $0xffff  }
0x9b: {  	v7 =	vmul.f32 v7, v7;
	s29 =	simm.s32 $0x0;
	v12 =	vadd.f32 v13, v12;
	v5 =	vmax.f32 v5, v8;
	v20 =	vld.idx.msk [tilespmem:v16+s2+$0x0], $0xffff  }
0x9c: {  	v60 =	vadd.f32 v8, v19;
	v4 =	vmax.f32 v4, v5;
	v5 =	vmov s29;
	v13 =	vld.idx.msk [tilespmem:v16+s25+$0x0], $0xffff  }
0x9d: {  	v7 =	vadd.f32 v7, v12;
	v5 =	vshll.u32 v5, $0x3;
	v2 =	vmax.f32 v2, v4;
	v61 =	vld.idx.msk [tilespmem:v9+s2+$0x0], $0xffff  }
0x9e: {  	vm0 =	veq.f32 v60, $0.0e+00;
	v6 =	vmul.f32 v6, v6;
	v8 =	vld.idx.msk [tilespmem:v9+s25+$0x0], $0xffff;
	[tilespmem:s29], [sflag:$0x1] =	stream.strided.gather [hbm4b:s11+s22], $0x3100, s23, s22, $0x38;
	v9 =	vmul.f32 v15, v15  }
0x9f: {  	v5 =	vor.u32 v0, v5;
	v7 =	vnsel vm0, $0x0, v7;
	v12 =	vadd.f32 v10, v1;
	_ =	swait.ge [sflag:s24], $0x3100  }
0xa0: {  	v15 =	vor.u32 $0x4, v5;
	[sflag:s24] =	ssyncset.done $0x0;
	v6 =	vadd.f32 v9, v6;
	v9 =	vmul.f32 v17, v17  }
0xa1: {  	v10 =	vmax.f32 v10, v11;
	v62 =	vor.u32 $0x6, v5;
	v3 =	vadd.f32 v7, v3;
	[sflag:s24] =	ssyncadd.s32 $0xFFFFCF00  }
0xa2: {  	v1 =	vmax.f32 v1, v10;
	v7 =	vadd.f32 v11, v12;
	[tilespmem:s25], [sflag:$0x1] =	stream.strided.gather [hbm4b:s12+s22], $0x3100, s23, s22, $0x38;
	v6 =	vadd.f32 v9, v6;
	[tilespmem:$0x6210] =	vst v63  }
0xa3: {  	s29 =	simm.s32 $0x10;
	v9 =	vor.u32 $0x5, v5;
	_ =	swait.ge [sflag:s24], $0x3100;
	v4 =	vmul.f32 v14, v14;
	v11 =	vmul.f32 v20, v20  }
0xa4: {  	v12 =	vmov s29;
	v1 =	vmax.f32 v2, v1;
	v14 =	vadd.f32 v13, v18;
	[sflag:s24] =	ssyncset.done $0x0  }
0xa5: {  	v12 =	vshll.u32 v12, $0x3;
	[sflag:s24] =	ssyncadd.s32 $0xFFFFCF00;
	v5 =	vadd.f32 v11, v4;
	v11 =	vmul.f32 v61, v61  }
0xa6: {  	v12 =	vor.u32 v0, v12;
	vm14 =	veq.f32 v7, $0.0e+00;
	v7 =	vadd.f32 v8, v14;
	v4 =	vld.idx.msk [tilespmem:v15+s25+$0x0], $0xffff  }
0xa7: {  	v6 =	vnsel vm14, $0x0, v6;
	v14 =	vld.idx.msk [tilespmem:v15+s2+$0x0], $0xffff;
	v15 =	vor.u32 $0x4, v12;
	v10 =	vadd.f32 v11, v5  }
0xa8: {  	v3 =	vadd.f32 v6, v3;
	v6 =	vmax.f32 v13, v8;
	v63 =	vld.idx.msk [tilespmem:v9+s2+$0x0], $0xffff;
	vm15 =	veq.f32 v7, $0.0e+00  }
0xa9: {  	v2 =	vmax.f32 v18, v6;
	v5 =	vld.idx.msk [tilespmem:v9+s25+$0x0], $0xffff;
	v6 =	vnsel vm15, $0x0, v10;
	v10 =	vor.u32 $0x5, v12  }
0xaa: {  	s29 =	simm.s32 $0x20;
	v7 =	vld.idx.msk [tilespmem:v62+s2+$0x0], $0xffff  }
0xab: {  	v8 =	vld.idx.msk [tilespmem:v62+s25+$0x0], $0xffff;
	v2 =	vmax.f32 v1, v2;
	v1 =	vmov s29;
	v11 =	vor.u32 $0x6, v12  }
0xac: {  	v3 =	vadd.f32 v6, v3;
	v6 =	vshll.u32 v1, $0x3;
	v1 =	vld.idx.msk [tilespmem:v15+s25+$0x0], $0xffff  }
0xad: {  	s29 =	simm.s32 $0x30;
	v9 =	vor.u32 v0, v6;
	v6 =	vld.idx.msk [tilespmem:v15+s2+$0x0], $0xffff;
	v12 =	vmul.f32 v14, v14;
	v13 =	vmul.f32 v63, v63  }
.LBB2_10:
0xae: {  	p0 =	sne.s32 s29, $0x610;
	v14 =	vor.u32 $0x4, v9;
	v15 =	vld.idx.msk [tilespmem:v10+s2+$0x0], $0xffff;
	v16 =	vadd.f32 v5, v4;
	v17 =	vmov v5  }
0xaf: {  	v5 =	vld.idx.msk [tilespmem:v10+s25+$0x0], $0xffff;
	v12 =	vadd.f32 v13, v12;
	v13 =	vmul.f32 v7, v7  }
.Ltmp4:
0xb0: {  	v10 =	vor.u32 $0x5, v9;
	v17 =	vmax.f32 v17, v8;
	v7 =	vld.idx.msk [tilespmem:v11+s2+$0x0], $0xffff;
	v16 =	vadd.f32 v8, v16;
	(pc) =	sbr.rel @p0 .LBB2_10-.Ltmp4, $4  }
0xb1: {  	v18 =	vmov s29;
	v8 =	vld.idx.msk [tilespmem:v11+s25+$0x0], $0xffff;
	v12 =	vadd.f32 v13, v12;
	v13 =	vmax.f32 v4, v17  }
0xb2: {  	v17 =	vshll.u32 v18, $0x3;
	v11 =	vor.u32 $0x6, v9;
	v4 =	vmovc v1;
	vm0 =	veq.f32 v16, $0.0e+00  }
0xb3: {  	v9 =	vor.u32 v0, v17;
	v2 =	vmax.f32 v2, v13;
	v1 =	vld.idx.msk [tilespmem:v14+s25+$0x0], $0xffff;
	v16 =	vnsel vm0, $0x0, v12  }
0xb4: {  	s29 =	sadd.s32 $0x10, s29;
	v12 =	vmul.f32 v6, v6;
	v13 =	vmul.f32 v15, v15;
	v6 =	vld.idx.msk [tilespmem:v14+s2+$0x0], $0xffff;
	v3 =	vadd.f32 v16, v3  }
0xb5: {  	_ =	sdelay $0x2  }
0xb6: {  	v14 =	vor.u32 $0x4, v9  }
0xb7: {  	v15 =	vld.idx.msk [tilespmem:v10+s2+$0x0], $0xffff  }
0xb8: {  	v10 =	vld.idx.msk [tilespmem:v10+s25+$0x0], $0xffff;
	v16 =	vor.u32 $0x5, v9  }
0xb9: {  	v17 =	vld.idx.msk [tilespmem:v11+s2+$0x0], $0xffff  }
0xba: {  	v11 =	vld.idx.msk [tilespmem:v11+s25+$0x0], $0xffff;
	v9 =	vor.u32 $0x6, v9  }
0xbb: {  	v18 =	vld.idx.msk [tilespmem:v14+s25+$0x0], $0xffff  }
0xbc: {  	v19 =	vadd.f32 v5, v4;
	v14 =	vld.idx.msk [tilespmem:v14+s2+$0x0], $0xffff  }
0xbd: {  	v7 =	vmul.f32 v7, v7;
	s29 =	simm.s32 $0x0;
	v12 =	vadd.f32 v13, v12;
	v5 =	vmax.f32 v5, v8;
	v20 =	vld.idx.msk [tilespmem:v16+s2+$0x0], $0xffff  }
0xbe: {  	v60 =	vadd.f32 v8, v19;
	v4 =	vmax.f32 v4, v5;
	v5 =	vmov s29;
	v13 =	vld.idx.msk [tilespmem:v16+s25+$0x0], $0xffff  }
0xbf: {  	v7 =	vadd.f32 v7, v12;
	v5 =	vshll.u32 v5, $0x3;
	v2 =	vmax.f32 v2, v4;
	v61 =	vld.idx.msk [tilespmem:v9+s2+$0x0], $0xffff  }
0xc0: {  	vm0 =	veq.f32 v60, $0.0e+00;
	v6 =	vmul.f32 v6, v6;
	v8 =	vld.idx.msk [tilespmem:v9+s25+$0x0], $0xffff;
	[tilespmem:s29], [sflag:$0x1] =	stream.strided.gather [hbm4b:s13+s22], $0x3100, s23, s22, $0x38;
	v9 =	vmul.f32 v15, v15  }
0xc1: {  	v5 =	vor.u32 v0, v5;
	v7 =	vnsel vm0, $0x0, v7;
	v12 =	vadd.f32 v10, v1;
	_ =	swait.ge [sflag:s24], $0x3100  }
0xc2: {  	v15 =	vor.u32 $0x4, v5;
	[sflag:s24] =	ssyncset.done $0x0;
	v6 =	vadd.f32 v9, v6;
	v9 =	vmul.f32 v17, v17  }
0xc3: {  	v10 =	vmax.f32 v10, v11;
	v62 =	vor.u32 $0x6, v5;
	v3 =	vadd.f32 v7, v3;
	[sflag:s24] =	ssyncadd.s32 $0xFFFFCF00  }
0xc4: {  	v1 =	vmax.f32 v1, v10;
	v7 =	vadd.f32 v11, v12;
	[tilespmem:s25], [sflag:$0x1] =	stream.strided.gather [hbm4b:s14+s22], $0x3100, s23, s22, $0x38;
	v6 =	vadd.f32 v9, v6;
	[tilespmem:$0x6210] =	vst v63  }
0xc5: {  	s29 =	simm.s32 $0x10;
	v9 =	vor.u32 $0x5, v5;
	_ =	swait.ge [sflag:s24], $0x3100;
	v4 =	vmul.f32 v14, v14;
	v11 =	vmul.f32 v20, v20  }
0xc6: {  	v12 =	vmov s29;
	v1 =	vmax.f32 v2, v1;
	v14 =	vadd.f32 v13, v18;
	[sflag:s24] =	ssyncset.done $0x0  }
0xc7: {  	v12 =	vshll.u32 v12, $0x3;
	[sflag:s24] =	ssyncadd.s32 $0xFFFFCF00;
	v5 =	vadd.f32 v11, v4;
	v11 =	vmul.f32 v61, v61  }
0xc8: {  	v12 =	vor.u32 v0, v12;
	vm14 =	veq.f32 v7, $0.0e+00;
	v7 =	vadd.f32 v8, v14;
	v4 =	vld.idx.msk [tilespmem:v15+s25+$0x0], $0xffff  }
0xc9: {  	v6 =	vnsel vm14, $0x0, v6;
	v14 =	vld.idx.msk [tilespmem:v15+s2+$0x0], $0xffff;
	v15 =	vor.u32 $0x4, v12;
	v10 =	vadd.f32 v11, v5  }
0xca: {  	v3 =	vadd.f32 v6, v3;
	v6 =	vmax.f32 v13, v8;
	v63 =	vld.idx.msk [tilespmem:v9+s2+$0x0], $0xffff;
	vm15 =	veq.f32 v7, $0.0e+00  }
0xcb: {  	v2 =	vmax.f32 v18, v6;
	v5 =	vld.idx.msk [tilespmem:v9+s25+$0x0], $0xffff;
	v6 =	vnsel vm15, $0x0, v10;
	v10 =	vor.u32 $0x5, v12  }
0xcc: {  	s29 =	simm.s32 $0x20;
	v7 =	vld.idx.msk [tilespmem:v62+s2+$0x0], $0xffff  }
0xcd: {  	v8 =	vld.idx.msk [tilespmem:v62+s25+$0x0], $0xffff;
	v2 =	vmax.f32 v1, v2;
	v1 =	vmov s29;
	v11 =	vor.u32 $0x6, v12  }
0xce: {  	v3 =	vadd.f32 v6, v3;
	v6 =	vshll.u32 v1, $0x3;
	v1 =	vld.idx.msk [tilespmem:v15+s25+$0x0], $0xffff  }
0xcf: {  	s29 =	simm.s32 $0x30;
	v9 =	vor.u32 v0, v6;
	v6 =	vld.idx.msk [tilespmem:v15+s2+$0x0], $0xffff;
	v12 =	vmul.f32 v14, v14;
	v13 =	vmul.f32 v63, v63  }
.LBB2_12:
0xd0: {  	p0 =	sne.s32 s29, $0x610;
	v14 =	vor.u32 $0x4, v9;
	v15 =	vld.idx.msk [tilespmem:v10+s2+$0x0], $0xffff;
	v16 =	vadd.f32 v5, v4;
	v17 =	vmov v5  }
0xd1: {  	v5 =	vld.idx.msk [tilespmem:v10+s25+$0x0], $0xffff;
	v12 =	vadd.f32 v13, v12;
	v13 =	vmul.f32 v7, v7  }
.Ltmp5:
0xd2: {  	v10 =	vor.u32 $0x5, v9;
	v17 =	vmax.f32 v17, v8;
	v7 =	vld.idx.msk [tilespmem:v11+s2+$0x0], $0xffff;
	v16 =	vadd.f32 v8, v16;
	(pc) =	sbr.rel @p0 .LBB2_12-.Ltmp5, $4  }
0xd3: {  	v18 =	vmov s29;
	v8 =	vld.idx.msk [tilespmem:v11+s25+$0x0], $0xffff;
	v12 =	vadd.f32 v13, v12;
	v13 =	vmax.f32 v4, v17  }
0xd4: {  	v17 =	vshll.u32 v18, $0x3;
	v11 =	vor.u32 $0x6, v9;
	v4 =	vmovc v1;
	vm0 =	veq.f32 v16, $0.0e+00  }
0xd5: {  	v9 =	vor.u32 v0, v17;
	v2 =	vmax.f32 v2, v13;
	v1 =	vld.idx.msk [tilespmem:v14+s25+$0x0], $0xffff;
	v16 =	vnsel vm0, $0x0, v12  }
0xd6: {  	s29 =	sadd.s32 $0x10, s29;
	v12 =	vmul.f32 v6, v6;
	v13 =	vmul.f32 v15, v15;
	v6 =	vld.idx.msk [tilespmem:v14+s2+$0x0], $0xffff;
	v3 =	vadd.f32 v16, v3  }
0xd7: {  	_ =	sdelay $0x2  }
0xd8: {  	v14 =	vor.u32 $0x4, v9  }
0xd9: {  	v15 =	vld.idx.msk [tilespmem:v10+s2+$0x0], $0xffff  }
0xda: {  	v10 =	vld.idx.msk [tilespmem:v10+s25+$0x0], $0xffff;
	v16 =	vor.u32 $0x5, v9  }
0xdb: {  	v17 =	vld.idx.msk [tilespmem:v11+s2+$0x0], $0xffff  }
0xdc: {  	v11 =	vld.idx.msk [tilespmem:v11+s25+$0x0], $0xffff;
	v9 =	vor.u32 $0x6, v9  }
0xdd: {  	v18 =	vld.idx.msk [tilespmem:v14+s25+$0x0], $0xffff  }
0xde: {  	v19 =	vadd.f32 v5, v4;
	v14 =	vld.idx.msk [tilespmem:v14+s2+$0x0], $0xffff  }
0xdf: {  	v7 =	vmul.f32 v7, v7;
	s29 =	simm.s32 $0x0;
	v12 =	vadd.f32 v13, v12;
	v5 =	vmax.f32 v5, v8;
	v20 =	vld.idx.msk [tilespmem:v16+s2+$0x0], $0xffff  }
0xe0: {  	v60 =	vadd.f32 v8, v19;
	v4 =	vmax.f32 v4, v5;
	v5 =	vmov s29;
	v13 =	vld.idx.msk [tilespmem:v16+s25+$0x0], $0xffff  }
0xe1: {  	v7 =	vadd.f32 v7, v12;
	v5 =	vshll.u32 v5, $0x3;
	v2 =	vmax.f32 v2, v4;
	v61 =	vld.idx.msk [tilespmem:v9+s2+$0x0], $0xffff  }
0xe2: {  	vm0 =	veq.f32 v60, $0.0e+00;
	v6 =	vmul.f32 v6, v6;
	v8 =	vld.idx.msk [tilespmem:v9+s25+$0x0], $0xffff;
	[tilespmem:s29], [sflag:$0x1] =	stream.strided.gather [hbm4b:s15+s22], $0x3100, s23, s22, $0x38;
	v9 =	vmul.f32 v15, v15  }
0xe3: {  	v5 =	vor.u32 v0, v5;
	v7 =	vnsel vm0, $0x0, v7;
	v12 =	vadd.f32 v10, v1;
	_ =	swait.ge [sflag:s24], $0x3100  }
0xe4: {  	v15 =	vor.u32 $0x4, v5;
	[sflag:s24] =	ssyncset.done $0x0;
	v6 =	vadd.f32 v9, v6;
	v9 =	vmul.f32 v17, v17  }
0xe5: {  	v10 =	vmax.f32 v10, v11;
	v62 =	vor.u32 $0x6, v5;
	v3 =	vadd.f32 v7, v3;
	[sflag:s24] =	ssyncadd.s32 $0xFFFFCF00  }
0xe6: {  	v1 =	vmax.f32 v1, v10;
	v7 =	vadd.f32 v11, v12;
	[tilespmem:s25], [sflag:$0x1] =	stream.strided.gather [hbm4b:s16+s22], $0x3100, s23, s22, $0x38;
	v6 =	vadd.f32 v9, v6;
	[tilespmem:$0x6210] =	vst v63  }
0xe7: {  	s29 =	simm.s32 $0x10;
	v9 =	vor.u32 $0x5, v5;
	_ =	swait.ge [sflag:s24], $0x3100;
	v4 =	vmul.f32 v14, v14;
	v11 =	vmul.f32 v20, v20  }
0xe8: {  	v12 =	vmov s29;
	v1 =	vmax.f32 v2, v1;
	v14 =	vadd.f32 v13, v18;
	[sflag:s24] =	ssyncset.done $0x0  }
0xe9: {  	v12 =	vshll.u32 v12, $0x3;
	[sflag:s24] =	ssyncadd.s32 $0xFFFFCF00;
	v5 =	vadd.f32 v11, v4;
	v11 =	vmul.f32 v61, v61  }
0xea: {  	v12 =	vor.u32 v0, v12;
	vm14 =	veq.f32 v7, $0.0e+00;
	v7 =	vadd.f32 v8, v14;
	v4 =	vld.idx.msk [tilespmem:v15+s25+$0x0], $0xffff  }
0xeb: {  	v6 =	vnsel vm14, $0x0, v6;
	v14 =	vld.idx.msk [tilespmem:v15+s2+$0x0], $0xffff;
	v15 =	vor.u32 $0x4, v12;
	v10 =	vadd.f32 v11, v5  }
0xec: {  	v3 =	vadd.f32 v6, v3;
	v6 =	vmax.f32 v13, v8;
	v63 =	vld.idx.msk [tilespmem:v9+s2+$0x0], $0xffff;
	vm15 =	veq.f32 v7, $0.0e+00  }
0xed: {  	v2 =	vmax.f32 v18, v6;
	v5 =	vld.idx.msk [tilespmem:v9+s25+$0x0], $0xffff;
	v6 =	vnsel vm15, $0x0, v10;
	v10 =	vor.u32 $0x5, v12  }
0xee: {  	s29 =	simm.s32 $0x20;
	v7 =	vld.idx.msk [tilespmem:v62+s2+$0x0], $0xffff  }
0xef: {  	v8 =	vld.idx.msk [tilespmem:v62+s25+$0x0], $0xffff;
	v1 =	vmax.f32 v1, v2;
	v2 =	vmov s29;
	v11 =	vor.u32 $0x6, v12  }
0xf0: {  	v3 =	vadd.f32 v6, v3;
	v6 =	vshll.u32 v2, $0x3;
	v2 =	vld.idx.msk [tilespmem:v15+s25+$0x0], $0xffff  }
0xf1: {  	s29 =	simm.s32 $0x30;
	v9 =	vor.u32 v0, v6;
	v6 =	vld.idx.msk [tilespmem:v15+s2+$0x0], $0xffff;
	v12 =	vmul.f32 v14, v14;
	v13 =	vmul.f32 v63, v63  }
.LBB2_14:
0xf2: {  	p0 =	sne.s32 s29, $0x610;
	v14 =	vor.u32 $0x4, v9;
	v15 =	vld.idx.msk [tilespmem:v10+s2+$0x0], $0xffff;
	v16 =	vadd.f32 v5, v4;
	v17 =	vmov v5  }
0xf3: {  	v5 =	vld.idx.msk [tilespmem:v10+s25+$0x0], $0xffff;
	v12 =	vadd.f32 v13, v12;
	v13 =	vmul.f32 v7, v7  }
.Ltmp6:
0xf4: {  	v10 =	vor.u32 $0x5, v9;
	v17 =	vmax.f32 v17, v8;
	v7 =	vld.idx.msk [tilespmem:v11+s2+$0x0], $0xffff;
	v16 =	vadd.f32 v8, v16;
	(pc) =	sbr.rel @p0 .LBB2_14-.Ltmp6, $4  }
0xf5: {  	v18 =	vmov s29;
	v8 =	vld.idx.msk [tilespmem:v11+s25+$0x0], $0xffff;
	v12 =	vadd.f32 v13, v12;
	v13 =	vmax.f32 v4, v17  }
0xf6: {  	v17 =	vshll.u32 v18, $0x3;
	v11 =	vor.u32 $0x6, v9;
	v4 =	vmovc v2;
	vm0 =	veq.f32 v16, $0.0e+00  }
0xf7: {  	v9 =	vor.u32 v0, v17;
	v1 =	vmax.f32 v1, v13;
	v2 =	vld.idx.msk [tilespmem:v14+s25+$0x0], $0xffff;
	v16 =	vnsel vm0, $0x0, v12  }
0xf8: {  	s29 =	sadd.s32 $0x10, s29;
	v12 =	vmul.f32 v6, v6;
	v13 =	vmul.f32 v15, v15;
	v6 =	vld.idx.msk [tilespmem:v14+s2+$0x0], $0xffff;
	v3 =	vadd.f32 v16, v3  }
0xf9: {  	_ =	sdelay $0x2  }
0xfa: {  	v14 =	vor.u32 $0x4, v9  }
0xfb: {  	v15 =	vld.idx.msk [tilespmem:v10+s2+$0x0], $0xffff  }
0xfc: {  	v10 =	vld.idx.msk [tilespmem:v10+s25+$0x0], $0xffff;
	v16 =	vor.u32 $0x5, v9  }
0xfd: {  	v17 =	vld.idx.msk [tilespmem:v11+s2+$0x0], $0xffff  }
0xfe: {  	v11 =	vld.idx.msk [tilespmem:v11+s25+$0x0], $0xffff;
	v9 =	vor.u32 $0x6, v9  }
0xff: {  	v18 =	vld.idx.msk [tilespmem:v14+s25+$0x0], $0xffff  }
0x100: {  	v19 =	vadd.f32 v5, v4;
	v14 =	vld.idx.msk [tilespmem:v14+s2+$0x0], $0xffff  }
0x101: {  	v7 =	vmul.f32 v7, v7;
	s29 =	simm.s32 $0x0;
	v12 =	vadd.f32 v13, v12;
	v5 =	vmax.f32 v5, v8;
	v20 =	vld.idx.msk [tilespmem:v16+s2+$0x0], $0xffff  }
0x102: {  	v60 =	vadd.f32 v8, v19;
	v4 =	vmax.f32 v4, v5;
	v5 =	vmov s29;
	v13 =	vld.idx.msk [tilespmem:v16+s25+$0x0], $0xffff  }
0x103: {  	v7 =	vadd.f32 v7, v12;
	v5 =	vshll.u32 v5, $0x3;
	v4 =	vmax.f32 v1, v4;
	v61 =	vld.idx.msk [tilespmem:v9+s2+$0x0], $0xffff  }
0x104: {  	vm0 =	veq.f32 v60, $0.0e+00;
	v6 =	vmul.f32 v6, v6;
	v8 =	vld.idx.msk [tilespmem:v9+s25+$0x0], $0xffff;
	[tilespmem:s29], [sflag:$0x1] =	stream.strided.gather [hbm4b:s17+s22], $0x3100, s23, s22, $0x38;
	v9 =	vmul.f32 v15, v15  }
0x105: {  	v5 =	vor.u32 v0, v5;
	v7 =	vnsel vm0, $0x0, v7;
	v12 =	vadd.f32 v10, v2;
	_ =	swait.ge [sflag:s24], $0x3100  }
0x106: {  	v10 =	vmax.f32 v10, v11;
	[sflag:s24] =	ssyncset.done $0x0;
	v6 =	vadd.f32 v9, v6;
	v9 =	vmul.f32 v17, v17  }
0x107: {  	v15 =	vor.u32 $0x4, v5;
	s29 =	simm.s32 $0x10;
	v3 =	vadd.f32 v7, v3;
	v2 =	vmax.f32 v2, v10;
	[sflag:s24] =	ssyncadd.s32 $0xFFFFCF00  }
0x108: {  	v7 =	vadd.f32 v11, v12;
	v12 =	vmov s29;
	[tilespmem:s25], [sflag:$0x1] =	stream.strided.gather [hbm4b:s18+s22], $0x3100, s23, s22, $0x38;
	v6 =	vadd.f32 v9, v6;
	[tilespmem:$0x6210] =	vst v63  }
0x109: {  	v9 =	vor.u32 $0x5, v5;
	_ =	swait.ge [sflag:s24], $0x3100;
	v1 =	vmul.f32 v14, v14;
	v11 =	vmul.f32 v20, v20  }
0x10a: {  	v2 =	vmax.f32 v4, v2;
	v12 =	vshll.u32 v12, $0x3;
	v14 =	vadd.f32 v13, v18;
	[sflag:s24] =	ssyncset.done $0x0  }
0x10b: {  	v5 =	vor.u32 $0x6, v5;
	v62 =	vmul.f32 v61, v61;
	[sflag:s24] =	ssyncadd.s32 $0xFFFFCF00;
	v11 =	vadd.f32 v11, v1  }
0x10c: {  	v12 =	vor.u32 v0, v12;
	vm14 =	veq.f32 v7, $0.0e+00;
	v7 =	vadd.f32 v8, v14;
	v1 =	vld.idx.msk [tilespmem:v15+s25+$0x0], $0xffff  }
0x10d: {  	v6 =	vnsel vm14, $0x0, v6;
	v14 =	vld.idx.msk [tilespmem:v15+s2+$0x0], $0xffff;
	v15 =	vor.u32 $0x4, v12;
	v10 =	vadd.f32 v62, v11  }
0x10e: {  	v6 =	vadd.f32 v6, v3;
	v8 =	vmax.f32 v13, v8;
	v63 =	vld.idx.msk [tilespmem:v9+s2+$0x0], $0xffff;
	vm15 =	veq.f32 v7, $0.0e+00  }
0x10f: {  	v4 =	vmax.f32 v18, v8;
	v3 =	vld.idx.msk [tilespmem:v9+s25+$0x0], $0xffff;
	v8 =	vnsel vm15, $0x0, v10;
	v10 =	vor.u32 $0x5, v12  }
0x110: {  	s29 =	simm.s32 $0x20;
	v7 =	vld.idx.msk [tilespmem:v5+s2+$0x0], $0xffff  }
0x111: {  	v2 =	vmax.f32 v2, v4;
	v4 =	vmov s29;
	v5 =	vld.idx.msk [tilespmem:v5+s25+$0x0], $0xffff;
	v11 =	vor.u32 $0x6, v12  }
0x112: {  	v6 =	vadd.f32 v8, v6;
	v8 =	vshll.u32 v4, $0x3;
	v4 =	vld.idx.msk [tilespmem:v15+s25+$0x0], $0xffff  }
0x113: {  	s29 =	simm.s32 $0x30;
	v9 =	vor.u32 v0, v8;
	v8 =	vld.idx.msk [tilespmem:v15+s2+$0x0], $0xffff;
	v12 =	vmul.f32 v14, v14;
	v13 =	vmul.f32 v63, v63  }
.LBB2_16:
0x114: {  	p0 =	sne.s32 s29, $0x610;
	v14 =	vor.u32 $0x4, v9;
	v15 =	vld.idx.msk [tilespmem:v10+s2+$0x0], $0xffff;
	v16 =	vadd.f32 v3, v1;
	v17 =	vmov v3  }
0x115: {  	v3 =	vld.idx.msk [tilespmem:v10+s25+$0x0], $0xffff;
	v12 =	vadd.f32 v13, v12;
	v13 =	vmul.f32 v7, v7  }
.Ltmp7:
0x116: {  	v10 =	vor.u32 $0x5, v9;
	v17 =	vmax.f32 v17, v5;
	v7 =	vld.idx.msk [tilespmem:v11+s2+$0x0], $0xffff;
	v16 =	vadd.f32 v5, v16;
	(pc) =	sbr.rel @p0 .LBB2_16-.Ltmp7, $4  }
0x117: {  	v18 =	vmov s29;
	v5 =	vld.idx.msk [tilespmem:v11+s25+$0x0], $0xffff;
	v12 =	vadd.f32 v13, v12;
	v13 =	vmax.f32 v1, v17  }
0x118: {  	v17 =	vshll.u32 v18, $0x3;
	v11 =	vor.u32 $0x6, v9;
	v1 =	vmovc v4;
	vm0 =	veq.f32 v16, $0.0e+00  }
0x119: {  	v9 =	vor.u32 v0, v17;
	v2 =	vmax.f32 v2, v13;
	v4 =	vld.idx.msk [tilespmem:v14+s25+$0x0], $0xffff;
	v16 =	vnsel vm0, $0x0, v12  }
0x11a: {  	s29 =	sadd.s32 $0x10, s29;
	v12 =	vmul.f32 v8, v8;
	v13 =	vmul.f32 v15, v15;
	v8 =	vld.idx.msk [tilespmem:v14+s2+$0x0], $0xffff;
	v6 =	vadd.f32 v16, v6  }
0x11b: {  	_ =	sdelay $0x2  }
0x11c: {  	v14 =	vor.u32 $0x4, v9  }
0x11d: {  	v15 =	vld.idx.msk [tilespmem:v10+s2+$0x0], $0xffff  }
0x11e: {  	v51 =	vld.idx.msk [tilespmem:v10+s25+$0x0], $0xffff;
	v16 =	vor.u32 $0x5, v9  }
0x11f: {  	v17 =	vld.idx.msk [tilespmem:v11+s2+$0x0], $0xffff  }
0x120: {  	v52 =	vld.idx.msk [tilespmem:v11+s25+$0x0], $0xffff;
	v53 =	vor.u32 $0x6, v9  }
0x121: {  	v18 =	vld.idx.msk [tilespmem:v14+s25+$0x0], $0xffff  }
0x122: {  	v14 =	vld.idx.msk [tilespmem:v14+s2+$0x0], $0xffff  }
0x123: {  	v55 =	vadd.f32 v3, v1;
	v19 =	vld.idx.msk [tilespmem:v16+s2+$0x0], $0xffff  }
0x124: {  	v7 =	vmul.f32 v7, v7;
	v12 =	vadd.f32 v13, v12;
	v54 =	vld.idx.msk [tilespmem:v16+s25+$0x0], $0xffff  }
0x125: {  	v57 =	vadd.f32 v5, v55;
	v20 =	vld.idx.msk [tilespmem:v53+s2+$0x0], $0xffff  }
0x126: {  	v7 =	vadd.f32 v7, v12;
	v8 =	vmul.f32 v8, v8;
	v15 =	vmul.f32 v15, v15;
	v9 =	vld.idx.msk [tilespmem:v53+s25+$0x0], $0xffff  }
0x127: {  	vm0 =	veq.f32 v57, $0.0e+00;
	v56 =	vadd.f32 v51, v4;
	v58 =	vmul.f32 v17, v17  }
0x128: {  	v8 =	vadd.f32 v15, v8;
	v14 =	vmul.f32 v14, v14;
	v59 =	vmul.f32 v19, v19  }
0x129: {  	v7 =	vnsel vm0, $0x0, v7;
	v12 =	vadd.f32 v52, v56;
	v60 =	vadd.f32 v54, v18  }
0x12a: {  	v8 =	vadd.f32 v58, v8;
	v61 =	vmul.f32 v20, v20;
	v14 =	vadd.f32 v59, v14  }
0x12b: {  	v6 =	vadd.f32 v7, v6;
	vm14 =	veq.f32 v12, $0.0e+00;
	v62 =	vadd.f32 v9, v60  }
0x12c: {  	v8 =	vnsel vm14, $0x0, v8;
	v63 =	vadd.f32 v61, v14  }
0x12d: {  	v6 =	vadd.f32 v8, v6;
	vm15 =	veq.f32 v62, $0.0e+00  }
0x12e: {  	v7 =	vnsel vm15, $0x0, v63  }
0x12f: {  	v6 =	vadd.f32 v7, v6;
	_ =	sdelay $0x1  }
0x130: {  	v3 =	vmax.f32 v3, v5;
	[tilespmem:$0x6200] =	vst v6  }
0x131: {  	v1 =	vmax.f32 v1, v3;
	v3 =	vmax.f32 v51, v52;
	[hbm4b:s19+s2] =	stream.linear.scatter [tilespmem:s26], [sflag:$0x1], $0x10, $0x38;
	[tilespmem:$0x6210] =	vst v63  }
0x132: {  	v1 =	vmax.f32 v2, v1;
	v2 =	vmax.f32 v4, v3;
	v3 =	vmax.f32 v54, v9;
	_ =	swait.ge [sflag:s24], $0x10  }
0x133: {  	s28 =	sadd.s32 $0x1, s28;
	v1 =	vmax.f32 v1, v2;
	v2 =	vmax.f32 v18, v3;
	[sflag:s24] =	ssyncset.done $0x0  }
0x134: {  	p0 =	sne.s32 s28, s21;
	v1 =	vmax.f32 v1, v2;
	[sflag:s24] =	ssyncadd.s32 $0xFFFFFFF0  }
.Ltmp8:
0x135: {  	[tilespmem:$0x6200] =	vst v1;
	(pc) =	sbr.rel @p0 .LBB2_1-.Ltmp8, $4  }
0x136: {  	[hbm4b:s20+s2] =	stream.linear.scatter [tilespmem:s26], [sflag:$0x1], $0x10, $0x38;
	[tilespmem:$0x6210] =	vst v63  }
0x137: {  	_ =	swait.ge [sflag:s24], $0x10  }
0x138: {  	[sflag:s24] =	ssyncset.done $0x0  }
0x139: {  	[sflag:s24] =	ssyncadd.s32 $0xFFFFFFF0  }
0x13a: {  	_ =	sfence.sel $0x180000  }
0x13b: {  	[bflag:$0x0] =	sbarrier.arrive $0xFFFF  }
0x13c: {  	p0 =	sne.s32 s1, $0x0;
	_ =	strace $0x90000047  }
0x13d: {  	s0 =	sadd.s32 @!p0 $0x100000, s0;
	[bflag:$0x2] =	sbarrier.arrive $0xFFFF  }
0x13e: {  	[sflag:s0] =	ssyncadd.tile.s32 @!p0 $0x1;
	_ =	shalt  }
.Lfunc_end2:
_tile_overlayer_lowered:
.L_overlay_start_2:
0x13f: {  	(tag) =	ssettag $0x2  }
0x140: {  	s0 =	rddreg [dreg:$0x0];
	s2 =	stileid.u32  }
0x141: {  	s1 =	rddreg [dreg:$0x1];
	p0 =	sne.s32 s2, $0x0  }
0x142: {  	s3 =	rddreg [dreg:$0x2];
	[bflag:$0x3] =	sbarrier.arrive $0xFFFF;
	s2 =	simm.s32 @!p0 $0x1C01  }
0x143: {  	[timem:s3], [sflag:s2] =	dma.local @!p0 [hbm:s0], s1  }
0x144: {  	s0 =	simm.s32 @!p0 $0x1  }
0x145: {  	_ =	swait.ge @!p0 [sflag:s0], s1  }
0x146: {  	s1 =	ssub.s32 @!p0 $0x0, s1;
	[sflag:s0] =	ssyncset.done @!p0 $0x0  }
0x147: {  	[sflag:s0] =	ssyncadd.s32 @!p0 s1  }
0x148: {  	[bflag:$0x3] =	sbarrier.arrive $0xFFFF  }
0x149: {  	_ =	shalt  }

</sc_bundles>
